<compile_context>
chip_gen: v7x
topology: tpu7x:2x2x1
jax: 0.10.2.dev20260603
libtpu: 0.0.44.dev20260713+nightly
codegen_flags: <defaults>
</compile_context>

<pallas_src>
import functools

import jax
import jax.numpy as jnp
from jax import lax
from jax.experimental import pallas as pl
from jax.experimental.pallas import tpu as pltpu
from jax.experimental.pallas import tpu_sc as plsc

_ORDER = 16
_BATCH = 16384
_HIST = 200
_NC = 2
_NS = 16
_NW = _NC * _NS
_COLS_W = _BATCH // _NW
_CH_COLS = 128
_NCHUNK = _COLS_W // _CH_COLS
_LANES = 16
_VPR = _CH_COLS // _LANES

_mesh = plsc.VectorSubcoreMesh(
    core_axis_name="c", subcore_axis_name="s", num_cores=_NC)


@functools.partial(
    pl.kernel,
    mesh=_mesh,
    out_type=jax.ShapeDtypeStruct((_HIST, _BATCH), jnp.float32),
    scratch_types=[
        pltpu.VMEM((_ORDER,), jnp.float32),
        pltpu.VMEM((_HIST, _CH_COLS), jnp.int32),
        pltpu.VMEM((_HIST, _CH_COLS), jnp.int32),
        pltpu.VMEM((_HIST, _CH_COLS), jnp.float32),
        pltpu.VMEM((_HIST, _CH_COLS), jnp.float32),
        pltpu.SemaphoreType.DMA,
        pltpu.SemaphoreType.DMA,
        pltpu.SemaphoreType.DMA,
        pltpu.SemaphoreType.DMA,
    ],
    compiler_params=pltpu.CompilerParams(
        needs_layout_passes=False,
        use_tc_tiling_on_sc=True,
    ),
)
def _gather_sc(idx_hbm, table_hbm, out_hbm, table_v,
               idx_v0, idx_v1, out_v0, out_v1,
               sin0, sin1, sout0, sout1):
    wid = lax.axis_index("s") * _NC + lax.axis_index("c")
    base = wid * _COLS_W

    idx_bufs = (idx_v0, idx_v1)
    out_bufs = (out_v0, out_v1)
    sins = (sin0, sin1)
    souts = (sout0, sout1)
    in_cp = [None, None]
    out_cp = [None, None]

    in_cp[0] = pltpu.async_copy(
        idx_hbm.at[:, pl.ds(base, _CH_COLS)], idx_bufs[0], sins[0])
    pltpu.sync_copy(table_hbm, table_v)

    for k in range(_NCHUNK):
        b = k % 2
        nb = 1 - b
        if k + 1 < _NCHUNK:
            in_cp[nb] = pltpu.async_copy(
                idx_hbm.at[:, pl.ds(base + (k + 1) * _CH_COLS, _CH_COLS)],
                idx_bufs[nb], sins[nb])
        in_cp[b].wait()
        if out_cp[b] is not None:
            out_cp[b].wait()

        idx_v = idx_bufs[b]
        out_v = out_bufs[b]

        @plsc.parallel_loop(0, _HIST, step=1, unroll=4)
        def _row_body(r, idx_v=idx_v, out_v=out_v):
            for j in range(_VPR):
                c = j * _LANES
                out_v[r, pl.ds(c, _LANES)] = plsc.load_gather(
                    table_v, [idx_v[r, pl.ds(c, _LANES)]])

        out_cp[b] = pltpu.async_copy(
            out_v, out_hbm.at[:, pl.ds(base + k * _CH_COLS, _CH_COLS)],
            souts[b])

    out_cp[0].wait()
    out_cp[1].wait()


def kernel(input, val_table):
    out_t = _gather_sc(input.T, val_table)
    return out_t.T

# --- scband reference (transcript-rebuilt; emitter-appended) ---
"""Pipeline reference for scband-group-8091718385766 (READ-ONLY COPY).

The authoritative reference and input builder live on the scoring server;
editing this copy changes nothing except your own understanding.
"""

import jax, jax.numpy as jnp
import numpy as np

ORDER = 16
BATCH = 16384
HIST = 200


def setup_inputs(seed: int = 0) -> dict:
    key = jax.random.key(seed)
    k1, k2 = jax.random.split(key)
    inp = jax.random.randint(k1, (BATCH, HIST), 0, ORDER, dtype=jnp.int32)
    val_table = jax.random.normal(k2, (ORDER,), dtype=jnp.float32)
    return {"input": inp, "val_table": val_table}


def reference(input, val_table):
    # Group.forward: val_table[input]  (embedding-style gather from group
    # function value table, one value per group element index)
    assert val_table.shape[0] == ORDER
    return jnp.take(val_table, input, axis=0)

if __name__ == "__main__":
    import jax
    _d = setup_inputs()
    print(jax.jit(kernel)(*tuple(_d.values())))

</pallas_src>

<mosaic_0001>
#map = affine_map<(d0, d1) -> (0, 0)>
#map1 = affine_map<(d0, d1) -> (0)>
module attributes {stable_mosaic.version = 14 : i64} {
  func.func @_gather_sc(%arg0: i32, %arg1: i32, %arg2: memref<200x16384xi32, #tpu.memory_space<hbm>>, %arg3: memref<16xf32, #tpu.memory_space<hbm>>, %arg4: memref<200x16384xf32, #tpu.memory_space<hbm>>, %arg5: memref<16xf32, #tpu.memory_space<vmem>>, %arg6: memref<200x128xi32, #tpu.memory_space<vmem>>, %arg7: memref<200x128xi32, #tpu.memory_space<vmem>>, %arg8: memref<200x128xf32, #tpu.memory_space<vmem>>, %arg9: memref<200x128xf32, #tpu.memory_space<vmem>>, %arg10: memref<!tpu.dma_semaphore, #tpu.memory_space<semaphore_mem>>, %arg11: memref<!tpu.dma_semaphore, #tpu.memory_space<semaphore_mem>>, %arg12: memref<!tpu.dma_semaphore, #tpu.memory_space<semaphore_mem>>, %arg13: memref<!tpu.dma_semaphore, #tpu.memory_space<semaphore_mem>>) attributes {dimension_semantics = [#tpu.dimension_semantics<core_parallel>, #tpu.dimension_semantics<subcore_parallel>], iteration_bounds = array<i64: 2, 16>, scalar_prefetch = 0 : i64, scratch_operands = 9 : i64, tpu.core_type = #tpu.core_type<sc_vector_subcore>, window_params = [{transform_indices = #map}, {transform_indices = #map1}, {transform_indices = #map}]} {
    %mul3A = arith.constant 2 : i32
    %mul3A_0 = arith.muli %arg1, %mul3A : i32
    %add3A = arith.addi %mul3A_0, %arg0 : i32
    %mul3A_1 = arith.constant 512 : i32
    %mul3A_2 = arith.muli %add3A, %mul3A_1 : i32
    %dma_start3A = arith.constant 0 : i32
    %dma_start3A_3 = tpu.memref_slice %arg2[%dma_start3A, %mul3A_2] : memref<200x16384xi32, #tpu.memory_space<hbm>> -> memref<200x128xi32, #tpu.memory_space<hbm>>
    %dma_start3A_4 = arith.constant 0 : i32
    %dma_start3A_5 = tpu.memref_slice %arg2[%dma_start3A_4, %mul3A_2] : memref<200x16384xi32, #tpu.memory_space<hbm>> -> memref<200x128xi32, #tpu.memory_space<hbm>>
    tpu.enqueue_dma source(%dma_start3A_5 : memref<200x128xi32, #tpu.memory_space<hbm>>) target(%arg6 : memref<200x128xi32, #tpu.memory_space<vmem>>) target_semaphore(%arg10 : memref<!tpu.dma_semaphore, #tpu.memory_space<semaphore_mem>>)
    "tpu.region"() ({
      %run_scoped3A = tpu.sem_alloc : memref<!tpu.dma_semaphore, #tpu.memory_space<semaphore_mem>>
      tpu.enqueue_dma source(%arg3 : memref<16xf32, #tpu.memory_space<hbm>>) target(%arg5 : memref<16xf32, #tpu.memory_space<vmem>>) target_semaphore(%run_scoped3A : memref<!tpu.dma_semaphore, #tpu.memory_space<semaphore_mem>>)
      tpu.wait_dma2 semaphore(%run_scoped3A : memref<!tpu.dma_semaphore, #tpu.memory_space<semaphore_mem>>) src(%arg3 : memref<16xf32, #tpu.memory_space<hbm>>) dst(%arg5 : memref<16xf32, #tpu.memory_space<vmem>>)
      tpu.yield
    }) : () -> ()
    %add3A_6 = arith.constant 128 : i32
    %add3A_7 = arith.addi %mul3A_2, %add3A_6 : i32
    %dma_start3A_8 = arith.constant 0 : i32
    %dma_start3A_9 = tpu.memref_slice %arg2[%dma_start3A_8, %add3A_7] : memref<200x16384xi32, #tpu.memory_space<hbm>> -> memref<200x128xi32, #tpu.memory_space<hbm>>
    %dma_start3A_10 = arith.constant 0 : i32
    %dma_start3A_11 = tpu.memref_slice %arg2[%dma_start3A_10, %add3A_7] : memref<200x16384xi32, #tpu.memory_space<hbm>> -> memref<200x128xi32, #tpu.memory_space<hbm>>
    tpu.enqueue_dma source(%dma_start3A_11 : memref<200x128xi32, #tpu.memory_space<hbm>>) target(%arg7 : memref<200x128xi32, #tpu.memory_space<vmem>>) target_semaphore(%arg11 : memref<!tpu.dma_semaphore, #tpu.memory_space<semaphore_mem>>)
    %dma_wait3A = arith.constant 0 : i32
    %dma_wait3A_12 = tpu.memref_slice %arg2[%dma_wait3A, %mul3A_2] : memref<200x16384xi32, #tpu.memory_space<hbm>> -> memref<200x128xi32, #tpu.memory_space<hbm>>
    %dma_wait3A_13 = arith.constant 0 : i32
    %dma_wait3A_14 = tpu.memref_slice %arg2[%dma_wait3A_13, %mul3A_2] : memref<200x16384xi32, #tpu.memory_space<hbm>> -> memref<200x128xi32, #tpu.memory_space<hbm>>
    tpu.wait_dma2 semaphore(%arg10 : memref<!tpu.dma_semaphore, #tpu.memory_space<semaphore_mem>>) src(%dma_wait3A_14 : memref<200x128xi32, #tpu.memory_space<hbm>>) dst(%arg6 : memref<200x128xi32, #tpu.memory_space<vmem>>)
    %parallel_loop3A = arith.constant 0 : i32
    %parallel_loop3A_15 = arith.constant 200 : i32
    %parallel_loop3A_16 = arith.constant 1 : i32
    scf.for %parallel_loop3A_90 = %parallel_loop3A to %parallel_loop3A_15 step %parallel_loop3A_16  : i32 {
      %parallel_loop3A_91 = arith.index_cast %parallel_loop3A_90 : i32 to index
      %parallel_loop3A_92 = arith.constant 0 : index
      %parallel_loop3A_93 = tpu.vector_load %arg6[%parallel_loop3A_91, %parallel_loop3A_92] {strides = array<i32>} : memref<200x128xi32, #tpu.memory_space<vmem>>, vector<16xi32>,
      %parallel_loop3A_94 = tpu.vector_load_idx %arg5[%parallel_loop3A_93] : memref<16xf32, #tpu.memory_space<vmem>>[vector<16xi32>], vector<16xf32>,
      %parallel_loop3A_95 = arith.index_cast %parallel_loop3A_90 : i32 to index
      %parallel_loop3A_96 = arith.constant 0 : index
      %parallel_loop3A_97 = tpu.vector_load %arg8[%parallel_loop3A_95, %parallel_loop3A_96] {strides = array<i32>} : memref<200x128xf32, #tpu.memory_space<vmem>>, vector<16xf32>,
      tpu.vector_store %arg8[%parallel_loop3A_95, %parallel_loop3A_96], %parallel_loop3A_94 {strides = array<i32>} : memref<200x128xf32, #tpu.memory_space<vmem>>, vector<16xf32>,
      %parallel_loop3A_98 = arith.index_cast %parallel_loop3A_90 : i32 to index
      %parallel_loop3A_99 = arith.constant 16 : index
      %parallel_loop3A_100 = tpu.vector_load %arg6[%parallel_loop3A_98, %parallel_loop3A_99] {strides = array<i32>} : memref<200x128xi32, #tpu.memory_space<vmem>>, vector<16xi32>,
      %parallel_loop3A_101 = tpu.vector_load_idx %arg5[%parallel_loop3A_100] : memref<16xf32, #tpu.memory_space<vmem>>[vector<16xi32>], vector<16xf32>,
      %parallel_loop3A_102 = arith.index_cast %parallel_loop3A_90 : i32 to index
      %parallel_loop3A_103 = arith.constant 16 : index
      %parallel_loop3A_104 = tpu.vector_load %arg8[%parallel_loop3A_102, %parallel_loop3A_103] {strides = array<i32>} : memref<200x128xf32, #tpu.memory_space<vmem>>, vector<16xf32>,
      tpu.vector_store %arg8[%parallel_loop3A_102, %parallel_loop3A_103], %parallel_loop3A_101 {strides = array<i32>} : memref<200x128xf32, #tpu.memory_space<vmem>>, vector<16xf32>,
      %parallel_loop3A_105 = arith.index_cast %parallel_loop3A_90 : i32 to index
      %parallel_loop3A_106 = arith.constant 32 : index
      %parallel_loop3A_107 = tpu.vector_load %arg6[%parallel_loop3A_105, %parallel_loop3A_106] {strides = array<i32>} : memref<200x128xi32, #tpu.memory_space<vmem>>, vector<16xi32>,
      %parallel_loop3A_108 = tpu.vector_load_idx %arg5[%parallel_loop3A_107] : memref<16xf32, #tpu.memory_space<vmem>>[vector<16xi32>], vector<16xf32>,
      %parallel_loop3A_109 = arith.index_cast %parallel_loop3A_90 : i32 to index
      %parallel_loop3A_110 = arith.constant 32 : index
      %parallel_loop3A_111 = tpu.vector_load %arg8[%parallel_loop3A_109, %parallel_loop3A_110] {strides = array<i32>} : memref<200x128xf32, #tpu.memory_space<vmem>>, vector<16xf32>,
      tpu.vector_store %arg8[%parallel_loop3A_109, %parallel_loop3A_110], %parallel_loop3A_108 {strides = array<i32>} : memref<200x128xf32, #tpu.memory_space<vmem>>, vector<16xf32>,
      %parallel_loop3A_112 = arith.index_cast %parallel_loop3A_90 : i32 to index
      %parallel_loop3A_113 = arith.constant 48 : index
      %parallel_loop3A_114 = tpu.vector_load %arg6[%parallel_loop3A_112, %parallel_loop3A_113] {strides = array<i32>} : memref<200x128xi32, #tpu.memory_space<vmem>>, vector<16xi32>,
      %parallel_loop3A_115 = tpu.vector_load_idx %arg5[%parallel_loop3A_114] : memref<16xf32, #tpu.memory_space<vmem>>[vector<16xi32>], vector<16xf32>,
      %parallel_loop3A_116 = arith.index_cast %parallel_loop3A_90 : i32 to index
      %parallel_loop3A_117 = arith.constant 48 : index
      %parallel_loop3A_118 = tpu.vector_load %arg8[%parallel_loop3A_116, %parallel_loop3A_117] {strides = array<i32>} : memref<200x128xf32, #tpu.memory_space<vmem>>, vector<16xf32>,
      tpu.vector_store %arg8[%parallel_loop3A_116, %parallel_loop3A_117], %parallel_loop3A_115 {strides = array<i32>} : memref<200x128xf32, #tpu.memory_space<vmem>>, vector<16xf32>,
      %parallel_loop3A_119 = arith.index_cast %parallel_loop3A_90 : i32 to index
      %parallel_loop3A_120 = arith.constant 64 : index
      %parallel_loop3A_121 = tpu.vector_load %arg6[%parallel_loop3A_119, %parallel_loop3A_120] {strides = array<i32>} : memref<200x128xi32, #tpu.memory_space<vmem>>, vector<16xi32>,
      %parallel_loop3A_122 = tpu.vector_load_idx %arg5[%parallel_loop3A_121] : memref<16xf32, #tpu.memory_space<vmem>>[vector<16xi32>], vector<16xf32>,
      %parallel_loop3A_123 = arith.index_cast %parallel_loop3A_90 : i32 to index
      %parallel_loop3A_124 = arith.constant 64 : index
      %parallel_loop3A_125 = tpu.vector_load %arg8[%parallel_loop3A_123, %parallel_loop3A_124] {strides = array<i32>} : memref<200x128xf32, #tpu.memory_space<vmem>>, vector<16xf32>,
      tpu.vector_store %arg8[%parallel_loop3A_123, %parallel_loop3A_124], %parallel_loop3A_122 {strides = array<i32>} : memref<200x128xf32, #tpu.memory_space<vmem>>, vector<16xf32>,
      %parallel_loop3A_126 = arith.index_cast %parallel_loop3A_90 : i32 to index
      %parallel_loop3A_127 = arith.constant 80 : index
      %parallel_loop3A_128 = tpu.vector_load %arg6[%parallel_loop3A_126, %parallel_loop3A_127] {strides = array<i32>} : memref<200x128xi32, #tpu.memory_space<vmem>>, vector<16xi32>,
      %parallel_loop3A_129 = tpu.vector_load_idx %arg5[%parallel_loop3A_128] : memref<16xf32, #tpu.memory_space<vmem>>[vector<16xi32>], vector<16xf32>,
      %parallel_loop3A_130 = arith.index_cast %parallel_loop3A_90 : i32 to index
      %parallel_loop3A_131 = arith.constant 80 : index
      %parallel_loop3A_132 = tpu.vector_load %arg8[%parallel_loop3A_130, %parallel_loop3A_131] {strides = array<i32>} : memref<200x128xf32, #tpu.memory_space<vmem>>, vector<16xf32>,
      tpu.vector_store %arg8[%parallel_loop3A_130, %parallel_loop3A_131], %parallel_loop3A_129 {strides = array<i32>} : memref<200x128xf32, #tpu.memory_space<vmem>>, vector<16xf32>,
      %parallel_loop3A_133 = arith.index_cast %parallel_loop3A_90 : i32 to index
      %parallel_loop3A_134 = arith.constant 96 : index
      %parallel_loop3A_135 = tpu.vector_load %arg6[%parallel_loop3A_133, %parallel_loop3A_134] {strides = array<i32>} : memref<200x128xi32, #tpu.memory_space<vmem>>, vector<16xi32>,
      %parallel_loop3A_136 = tpu.vector_load_idx %arg5[%parallel_loop3A_135] : memref<16xf32, #tpu.memory_space<vmem>>[vector<16xi32>], vector<16xf32>,
      %parallel_loop3A_137 = arith.index_cast %parallel_loop3A_90 : i32 to index
      %parallel_loop3A_138 = arith.constant 96 : index
      %parallel_loop3A_139 = tpu.vector_load %arg8[%parallel_loop3A_137, %parallel_loop3A_138] {strides = array<i32>} : memref<200x128xf32, #tpu.memory_space<vmem>>, vector<16xf32>,
      tpu.vector_store %arg8[%parallel_loop3A_137, %parallel_loop3A_138], %parallel_loop3A_136 {strides = array<i32>} : memref<200x128xf32, #tpu.memory_space<vmem>>, vector<16xf32>,
      %parallel_loop3A_140 = arith.index_cast %parallel_loop3A_90 : i32 to index
      %parallel_loop3A_141 = arith.constant 112 : index
      %parallel_loop3A_142 = tpu.vector_load %arg6[%parallel_loop3A_140, %parallel_loop3A_141] {strides = array<i32>} : memref<200x128xi32, #tpu.memory_space<vmem>>, vector<16xi32>,
      %parallel_loop3A_143 = tpu.vector_load_idx %arg5[%parallel_loop3A_142] : memref<16xf32, #tpu.memory_space<vmem>>[vector<16xi32>], vector<16xf32>,
      %parallel_loop3A_144 = arith.index_cast %parallel_loop3A_90 : i32 to index
      %parallel_loop3A_145 = arith.constant 112 : index
      %parallel_loop3A_146 = tpu.vector_load %arg8[%parallel_loop3A_144, %parallel_loop3A_145] {strides = array<i32>} : memref<200x128xf32, #tpu.memory_space<vmem>>, vector<16xf32>,
      tpu.vector_store %arg8[%parallel_loop3A_144, %parallel_loop3A_145], %parallel_loop3A_143 {strides = array<i32>} : memref<200x128xf32, #tpu.memory_space<vmem>>, vector<16xf32>,
    } {sc.loop_unroll_factor = 4 : i64, sc.parallel_access}
    %add3A_17 = arith.constant 0 : i32
    %add3A_18 = arith.addi %mul3A_2, %add3A_17 : i32
    %dma_start3A_19 = arith.constant 0 : i32
    %dma_start3A_20 = tpu.memref_slice %arg4[%dma_start3A_19, %add3A_18] : memref<200x16384xf32, #tpu.memory_space<hbm>> -> memref<200x128xf32, #tpu.memory_space<hbm>>
    %dma_start3A_21 = arith.constant 0 : i32
    %dma_start3A_22 = tpu.memref_slice %arg4[%dma_start3A_21, %add3A_18] : memref<200x16384xf32, #tpu.memory_space<hbm>> -> memref<200x128xf32, #tpu.memory_space<hbm>>
    tpu.enqueue_dma source(%arg8 : memref<200x128xf32, #tpu.memory_space<vmem>>) target(%dma_start3A_22 : memref<200x128xf32, #tpu.memory_space<hbm>>) target_semaphore(%arg12 : memref<!tpu.dma_semaphore, #tpu.memory_space<semaphore_mem>>)
    %add3A_23 = arith.constant 256 : i32
    %add3A_24 = arith.addi %mul3A_2, %add3A_23 : i32
    %dma_start3A_25 = arith.constant 0 : i32
    %dma_start3A_26 = tpu.memref_slice %arg2[%dma_start3A_25, %add3A_24] : memref<200x16384xi32, #tpu.memory_space<hbm>> -> memref<200x128xi32, #tpu.memory_space<hbm>>
    %dma_start3A_27 = arith.constant 0 : i32
    %dma_start3A_28 = tpu.memref_slice %arg2[%dma_start3A_27, %add3A_24] : memref<200x16384xi32, #tpu.memory_space<hbm>> -> memref<200x128xi32, #tpu.memory_space<hbm>>
    tpu.enqueue_dma source(%dma_start3A_28 : memref<200x128xi32, #tpu.memory_space<hbm>>) target(%arg6 : memref<200x128xi32, #tpu.memory_space<vmem>>) target_semaphore(%arg10 : memref<!tpu.dma_semaphore, #tpu.memory_space<semaphore_mem>>)
    %dma_wait3A_29 = arith.constant 0 : i32
    %dma_wait3A_30 = tpu.memref_slice %arg2[%dma_wait3A_29, %add3A_7] : memref<200x16384xi32, #tpu.memory_space<hbm>> -> memref<200x128xi32, #tpu.memory_space<hbm>>
    %dma_wait3A_31 = arith.constant 0 : i32
    %dma_wait3A_32 = tpu.memref_slice %arg2[%dma_wait3A_31, %add3A_7] : memref<200x16384xi32, #tpu.memory_space<hbm>> -> memref<200x128xi32, #tpu.memory_space<hbm>>
    tpu.wait_dma2 semaphore(%arg11 : memref<!tpu.dma_semaphore, #tpu.memory_space<semaphore_mem>>) src(%dma_wait3A_32 : memref<200x128xi32, #tpu.memory_space<hbm>>) dst(%arg7 : memref<200x128xi32, #tpu.memory_space<vmem>>)
    %parallel_loop3A_33 = arith.constant 0 : i32
    %parallel_loop3A_34 = arith.constant 200 : i32
    %parallel_loop3A_35 = arith.constant 1 : i32
    scf.for %parallel_loop3A_90 = %parallel_loop3A_33 to %parallel_loop3A_34 step %parallel_loop3A_35  : i32 {
      %parallel_loop3A_91 = arith.index_cast %parallel_loop3A_90 : i32 to index
      %parallel_loop3A_92 = arith.constant 0 : index
      %parallel_loop3A_93 = tpu.vector_load %arg7[%parallel_loop3A_91, %parallel_loop3A_92] {strides = array<i32>} : memref<200x128xi32, #tpu.memory_space<vmem>>, vector<16xi32>,
      %parallel_loop3A_94 = tpu.vector_load_idx %arg5[%parallel_loop3A_93] : memref<16xf32, #tpu.memory_space<vmem>>[vector<16xi32>], vector<16xf32>,
      %parallel_loop3A_95 = arith.index_cast %parallel_loop3A_90 : i32 to index
      %parallel_loop3A_96 = arith.constant 0 : index
      %parallel_loop3A_97 = tpu.vector_load %arg9[%parallel_loop3A_95, %parallel_loop3A_96] {strides = array<i32>} : memref<200x128xf32, #tpu.memory_space<vmem>>, vector<16xf32>,
      tpu.vector_store %arg9[%parallel_loop3A_95, %parallel_loop3A_96], %parallel_loop3A_94 {strides = array<i32>} : memref<200x128xf32, #tpu.memory_space<vmem>>, vector<16xf32>,
      %parallel_loop3A_98 = arith.index_cast %parallel_loop3A_90 : i32 to index
      %parallel_loop3A_99 = arith.constant 16 : index
      %parallel_loop3A_100 = tpu.vector_load %arg7[%parallel_loop3A_98, %parallel_loop3A_99] {strides = array<i32>} : memref<200x128xi32, #tpu.memory_space<vmem>>, vector<16xi32>,
      %parallel_loop3A_101 = tpu.vector_load_idx %arg5[%parallel_loop3A_100] : memref<16xf32, #tpu.memory_space<vmem>>[vector<16xi32>], vector<16xf32>,
      %parallel_loop3A_102 = arith.index_cast %parallel_loop3A_90 : i32 to index
      %parallel_loop3A_103 = arith.constant 16 : index
      %parallel_loop3A_104 = tpu.vector_load %arg9[%parallel_loop3A_102, %parallel_loop3A_103] {strides = array<i32>} : memref<200x128xf32, #tpu.memory_space<vmem>>, vector<16xf32>,
      tpu.vector_store %arg9[%parallel_loop3A_102, %parallel_loop3A_103], %parallel_loop3A_101 {strides = array<i32>} : memref<200x128xf32, #tpu.memory_space<vmem>>, vector<16xf32>,
      %parallel_loop3A_105 = arith.index_cast %parallel_loop3A_90 : i32 to index
      %parallel_loop3A_106 = arith.constant 32 : index
      %parallel_loop3A_107 = tpu.vector_load %arg7[%parallel_loop3A_105, %parallel_loop3A_106] {strides = array<i32>} : memref<200x128xi32, #tpu.memory_space<vmem>>, vector<16xi32>,
      %parallel_loop3A_108 = tpu.vector_load_idx %arg5[%parallel_loop3A_107] : memref<16xf32, #tpu.memory_space<vmem>>[vector<16xi32>], vector<16xf32>,
      %parallel_loop3A_109 = arith.index_cast %parallel_loop3A_90 : i32 to index
      %parallel_loop3A_110 = arith.constant 32 : index
      %parallel_loop3A_111 = tpu.vector_load %arg9[%parallel_loop3A_109, %parallel_loop3A_110] {strides = array<i32>} : memref<200x128xf32, #tpu.memory_space<vmem>>, vector<16xf32>,
      tpu.vector_store %arg9[%parallel_loop3A_109, %parallel_loop3A_110], %parallel_loop3A_108 {strides = array<i32>} : memref<200x128xf32, #tpu.memory_space<vmem>>, vector<16xf32>,
      %parallel_loop3A_112 = arith.index_cast %parallel_loop3A_90 : i32 to index
      %parallel_loop3A_113 = arith.constant 48 : index
      %parallel_loop3A_114 = tpu.vector_load %arg7[%parallel_loop3A_112, %parallel_loop3A_113] {strides = array<i32>} : memref<200x128xi32, #tpu.memory_space<vmem>>, vector<16xi32>,
      %parallel_loop3A_115 = tpu.vector_load_idx %arg5[%parallel_loop3A_114] : memref<16xf32, #tpu.memory_space<vmem>>[vector<16xi32>], vector<16xf32>,
      %parallel_loop3A_116 = arith.index_cast %parallel_loop3A_90 : i32 to index
      %parallel_loop3A_117 = arith.constant 48 : index
      %parallel_loop3A_118 = tpu.vector_load %arg9[%parallel_loop3A_116, %parallel_loop3A_117] {strides = array<i32>} : memref<200x128xf32, #tpu.memory_space<vmem>>, vector<16xf32>,
      tpu.vector_store %arg9[%parallel_loop3A_116, %parallel_loop3A_117], %parallel_loop3A_115 {strides = array<i32>} : memref<200x128xf32, #tpu.memory_space<vmem>>, vector<16xf32>,
      %parallel_loop3A_119 = arith.index_cast %parallel_loop3A_90 : i32 to index
      %parallel_loop3A_120 = arith.constant 64 : index
      %parallel_loop3A_121 = tpu.vector_load %arg7[%parallel_loop3A_119, %parallel_loop3A_120] {strides = array<i32>} : memref<200x128xi32, #tpu.memory_space<vmem>>, vector<16xi32>,
      %parallel_loop3A_122 = tpu.vector_load_idx %arg5[%parallel_loop3A_121] : memref<16xf32, #tpu.memory_space<vmem>>[vector<16xi32>], vector<16xf32>,
      %parallel_loop3A_123 = arith.index_cast %parallel_loop3A_90 : i32 to index
      %parallel_loop3A_124 = arith.constant 64 : index
      %parallel_loop3A_125 = tpu.vector_load %arg9[%parallel_loop3A_123, %parallel_loop3A_124] {strides = array<i32>} : memref<200x128xf32, #tpu.memory_space<vmem>>, vector<16xf32>,
      tpu.vector_store %arg9[%parallel_loop3A_123, %parallel_loop3A_124], %parallel_loop3A_122 {strides = array<i32>} : memref<200x128xf32, #tpu.memory_space<vmem>>, vector<16xf32>,
      %parallel_loop3A_126 = arith.index_cast %parallel_loop3A_90 : i32 to index
      %parallel_loop3A_127 = arith.constant 80 : index
      %parallel_loop3A_128 = tpu.vector_load %arg7[%parallel_loop3A_126, %parallel_loop3A_127] {strides = array<i32>} : memref<200x128xi32, #tpu.memory_space<vmem>>, vector<16xi32>,
      %parallel_loop3A_129 = tpu.vector_load_idx %arg5[%parallel_loop3A_128] : memref<16xf32, #tpu.memory_space<vmem>>[vector<16xi32>], vector<16xf32>,
      %parallel_loop3A_130 = arith.index_cast %parallel_loop3A_90 : i32 to index
      %parallel_loop3A_131 = arith.constant 80 : index
      %parallel_loop3A_132 = tpu.vector_load %arg9[%parallel_loop3A_130, %parallel_loop3A_131] {strides = array<i32>} : memref<200x128xf32, #tpu.memory_space<vmem>>, vector<16xf32>,
      tpu.vector_store %arg9[%parallel_loop3A_130, %parallel_loop3A_131], %parallel_loop3A_129 {strides = array<i32>} : memref<200x128xf32, #tpu.memory_space<vmem>>, vector<16xf32>,
      %parallel_loop3A_133 = arith.index_cast %parallel_loop3A_90 : i32 to index
      %parallel_loop3A_134 = arith.constant 96 : index
      %parallel_loop3A_135 = tpu.vector_load %arg7[%parallel_loop3A_133, %parallel_loop3A_134] {strides = array<i32>} : memref<200x128xi32, #tpu.memory_space<vmem>>, vector<16xi32>,
      %parallel_loop3A_136 = tpu.vector_load_idx %arg5[%parallel_loop3A_135] : memref<16xf32, #tpu.memory_space<vmem>>[vector<16xi32>], vector<16xf32>,
      %parallel_loop3A_137 = arith.index_cast %parallel_loop3A_90 : i32 to index
      %parallel_loop3A_138 = arith.constant 96 : index
      %parallel_loop3A_139 = tpu.vector_load %arg9[%parallel_loop3A_137, %parallel_loop3A_138] {strides = array<i32>} : memref<200x128xf32, #tpu.memory_space<vmem>>, vector<16xf32>,
      tpu.vector_store %arg9[%parallel_loop3A_137, %parallel_loop3A_138], %parallel_loop3A_136 {strides = array<i32>} : memref<200x128xf32, #tpu.memory_space<vmem>>, vector<16xf32>,
      %parallel_loop3A_140 = arith.index_cast %parallel_loop3A_90 : i32 to index
      %parallel_loop3A_141 = arith.constant 112 : index
      %parallel_loop3A_142 = tpu.vector_load %arg7[%parallel_loop3A_140, %parallel_loop3A_141] {strides = array<i32>} : memref<200x128xi32, #tpu.memory_space<vmem>>, vector<16xi32>,
      %parallel_loop3A_143 = tpu.vector_load_idx %arg5[%parallel_loop3A_142] : memref<16xf32, #tpu.memory_space<vmem>>[vector<16xi32>], vector<16xf32>,
      %parallel_loop3A_144 = arith.index_cast %parallel_loop3A_90 : i32 to index
      %parallel_loop3A_145 = arith.constant 112 : index
      %parallel_loop3A_146 = tpu.vector_load %arg9[%parallel_loop3A_144, %parallel_loop3A_145] {strides = array<i32>} : memref<200x128xf32, #tpu.memory_space<vmem>>, vector<16xf32>,
      tpu.vector_store %arg9[%parallel_loop3A_144, %parallel_loop3A_145], %parallel_loop3A_143 {strides = array<i32>} : memref<200x128xf32, #tpu.memory_space<vmem>>, vector<16xf32>,
    } {sc.loop_unroll_factor = 4 : i64, sc.parallel_access}
    %add3A_36 = arith.constant 128 : i32
    %add3A_37 = arith.addi %mul3A_2, %add3A_36 : i32
    %dma_start3A_38 = arith.constant 0 : i32
    %dma_start3A_39 = tpu.memref_slice %arg4[%dma_start3A_38, %add3A_37] : memref<200x16384xf32, #tpu.memory_space<hbm>> -> memref<200x128xf32, #tpu.memory_space<hbm>>
    %dma_start3A_40 = arith.constant 0 : i32
    %dma_start3A_41 = tpu.memref_slice %arg4[%dma_start3A_40, %add3A_37] : memref<200x16384xf32, #tpu.memory_space<hbm>> -> memref<200x128xf32, #tpu.memory_space<hbm>>
    tpu.enqueue_dma source(%arg9 : memref<200x128xf32, #tpu.memory_space<vmem>>) target(%dma_start3A_41 : memref<200x128xf32, #tpu.memory_space<hbm>>) target_semaphore(%arg13 : memref<!tpu.dma_semaphore, #tpu.memory_space<semaphore_mem>>)
    %add3A_42 = arith.constant 384 : i32
    %add3A_43 = arith.addi %mul3A_2, %add3A_42 : i32
    %dma_start3A_44 = arith.constant 0 : i32
    %dma_start3A_45 = tpu.memref_slice %arg2[%dma_start3A_44, %add3A_43] : memref<200x16384xi32, #tpu.memory_space<hbm>> -> memref<200x128xi32, #tpu.memory_space<hbm>>
    %dma_start3A_46 = arith.constant 0 : i32
    %dma_start3A_47 = tpu.memref_slice %arg2[%dma_start3A_46, %add3A_43] : memref<200x16384xi32, #tpu.memory_space<hbm>> -> memref<200x128xi32, #tpu.memory_space<hbm>>
    tpu.enqueue_dma source(%dma_start3A_47 : memref<200x128xi32, #tpu.memory_space<hbm>>) target(%arg7 : memref<200x128xi32, #tpu.memory_space<vmem>>) target_semaphore(%arg11 : memref<!tpu.dma_semaphore, #tpu.memory_space<semaphore_mem>>)
    %dma_wait3A_48 = arith.constant 0 : i32
    %dma_wait3A_49 = tpu.memref_slice %arg2[%dma_wait3A_48, %add3A_24] : memref<200x16384xi32, #tpu.memory_space<hbm>> -> memref<200x128xi32, #tpu.memory_space<hbm>>
    %dma_wait3A_50 = arith.constant 0 : i32
    %dma_wait3A_51 = tpu.memref_slice %arg2[%dma_wait3A_50, %add3A_24] : memref<200x16384xi32, #tpu.memory_space<hbm>> -> memref<200x128xi32, #tpu.memory_space<hbm>>
    tpu.wait_dma2 semaphore(%arg10 : memref<!tpu.dma_semaphore, #tpu.memory_space<semaphore_mem>>) src(%dma_wait3A_51 : memref<200x128xi32, #tpu.memory_space<hbm>>) dst(%arg6 : memref<200x128xi32, #tpu.memory_space<vmem>>)
    %dma_wait3A_52 = arith.constant 0 : i32
    %dma_wait3A_53 = tpu.memref_slice %arg4[%dma_wait3A_52, %add3A_18] : memref<200x16384xf32, #tpu.memory_space<hbm>> -> memref<200x128xf32, #tpu.memory_space<hbm>>
    %dma_wait3A_54 = arith.constant 0 : i32
    %dma_wait3A_55 = tpu.memref_slice %arg4[%dma_wait3A_54, %add3A_18] : memref<200x16384xf32, #tpu.memory_space<hbm>> -> memref<200x128xf32, #tpu.memory_space<hbm>>
    tpu.wait_dma2 semaphore(%arg12 : memref<!tpu.dma_semaphore, #tpu.memory_space<semaphore_mem>>) src(%arg8 : memref<200x128xf32, #tpu.memory_space<vmem>>) dst(%dma_wait3A_55 : memref<200x128xf32, #tpu.memory_space<hbm>>)
    %parallel_loop3A_56 = arith.constant 0 : i32
    %parallel_loop3A_57 = arith.constant 200 : i32
    %parallel_loop3A_58 = arith.constant 1 : i32
    scf.for %parallel_loop3A_90 = %parallel_loop3A_56 to %parallel_loop3A_57 step %parallel_loop3A_58  : i32 {
      %parallel_loop3A_91 = arith.index_cast %parallel_loop3A_90 : i32 to index
      %parallel_loop3A_92 = arith.constant 0 : index
      %parallel_loop3A_93 = tpu.vector_load %arg6[%parallel_loop3A_91, %parallel_loop3A_92] {strides = array<i32>} : memref<200x128xi32, #tpu.memory_space<vmem>>, vector<16xi32>,
      %parallel_loop3A_94 = tpu.vector_load_idx %arg5[%parallel_loop3A_93] : memref<16xf32, #tpu.memory_space<vmem>>[vector<16xi32>], vector<16xf32>,
      %parallel_loop3A_95 = arith.index_cast %parallel_loop3A_90 : i32 to index
      %parallel_loop3A_96 = arith.constant 0 : index
      %parallel_loop3A_97 = tpu.vector_load %arg8[%parallel_loop3A_95, %parallel_loop3A_96] {strides = array<i32>} : memref<200x128xf32, #tpu.memory_space<vmem>>, vector<16xf32>,
      tpu.vector_store %arg8[%parallel_loop3A_95, %parallel_loop3A_96], %parallel_loop3A_94 {strides = array<i32>} : memref<200x128xf32, #tpu.memory_space<vmem>>, vector<16xf32>,
      %parallel_loop3A_98 = arith.index_cast %parallel_loop3A_90 : i32 to index
      %parallel_loop3A_99 = arith.constant 16 : index
      %parallel_loop3A_100 = tpu.vector_load %arg6[%parallel_loop3A_98, %parallel_loop3A_99] {strides = array<i32>} : memref<200x128xi32, #tpu.memory_space<vmem>>, vector<16xi32>,
      %parallel_loop3A_101 = tpu.vector_load_idx %arg5[%parallel_loop3A_100] : memref<16xf32, #tpu.memory_space<vmem>>[vector<16xi32>], vector<16xf32>,
      %parallel_loop3A_102 = arith.index_cast %parallel_loop3A_90 : i32 to index
      %parallel_loop3A_103 = arith.constant 16 : index
      %parallel_loop3A_104 = tpu.vector_load %arg8[%parallel_loop3A_102, %parallel_loop3A_103] {strides = array<i32>} : memref<200x128xf32, #tpu.memory_space<vmem>>, vector<16xf32>,
      tpu.vector_store %arg8[%parallel_loop3A_102, %parallel_loop3A_103], %parallel_loop3A_101 {strides = array<i32>} : memref<200x128xf32, #tpu.memory_space<vmem>>, vector<16xf32>,
      %parallel_loop3A_105 = arith.index_cast %parallel_loop3A_90 : i32 to index
      %parallel_loop3A_106 = arith.constant 32 : index
      %parallel_loop3A_107 = tpu.vector_load %arg6[%parallel_loop3A_105, %parallel_loop3A_106] {strides = array<i32>} : memref<200x128xi32, #tpu.memory_space<vmem>>, vector<16xi32>,
      %parallel_loop3A_108 = tpu.vector_load_idx %arg5[%parallel_loop3A_107] : memref<16xf32, #tpu.memory_space<vmem>>[vector<16xi32>], vector<16xf32>,
      %parallel_loop3A_109 = arith.index_cast %parallel_loop3A_90 : i32 to index
      %parallel_loop3A_110 = arith.constant 32 : index
      %parallel_loop3A_111 = tpu.vector_load %arg8[%parallel_loop3A_109, %parallel_loop3A_110] {strides = array<i32>} : memref<200x128xf32, #tpu.memory_space<vmem>>, vector<16xf32>,
      tpu.vector_store %arg8[%parallel_loop3A_109, %parallel_loop3A_110], %parallel_loop3A_108 {strides = array<i32>} : memref<200x128xf32, #tpu.memory_space<vmem>>, vector<16xf32>,
      %parallel_loop3A_112 = arith.index_cast %parallel_loop3A_90 : i32 to index
      %parallel_loop3A_113 = arith.constant 48 : index
      %parallel_loop3A_114 = tpu.vector_load %arg6[%parallel_loop3A_112, %parallel_loop3A_113] {strides = array<i32>} : memref<200x128xi32, #tpu.memory_space<vmem>>, vector<16xi32>,
      %parallel_loop3A_115 = tpu.vector_load_idx %arg5[%parallel_loop3A_114] : memref<16xf32, #tpu.memory_space<vmem>>[vector<16xi32>], vector<16xf32>,
      %parallel_loop3A_116 = arith.index_cast %parallel_loop3A_90 : i32 to index
      %parallel_loop3A_117 = arith.constant 48 : index
      %parallel_loop3A_118 = tpu.vector_load %arg8[%parallel_loop3A_116, %parallel_loop3A_117] {strides = array<i32>} : memref<200x128xf32, #tpu.memory_space<vmem>>, vector<16xf32>,
      tpu.vector_store %arg8[%parallel_loop3A_116, %parallel_loop3A_117], %parallel_loop3A_115 {strides = array<i32>} : memref<200x128xf32, #tpu.memory_space<vmem>>, vector<16xf32>,
      %parallel_loop3A_119 = arith.index_cast %parallel_loop3A_90 : i32 to index
      %parallel_loop3A_120 = arith.constant 64 : index
      %parallel_loop3A_121 = tpu.vector_load %arg6[%parallel_loop3A_119, %parallel_loop3A_120] {strides = array<i32>} : memref<200x128xi32, #tpu.memory_space<vmem>>, vector<16xi32>,
      %parallel_loop3A_122 = tpu.vector_load_idx %arg5[%parallel_loop3A_121] : memref<16xf32, #tpu.memory_space<vmem>>[vector<16xi32>], vector<16xf32>,
      %parallel_loop3A_123 = arith.index_cast %parallel_loop3A_90 : i32 to index
      %parallel_loop3A_124 = arith.constant 64 : index
      %parallel_loop3A_125 = tpu.vector_load %arg8[%parallel_loop3A_123, %parallel_loop3A_124] {strides = array<i32>} : memref<200x128xf32, #tpu.memory_space<vmem>>, vector<16xf32>,
      tpu.vector_store %arg8[%parallel_loop3A_123, %parallel_loop3A_124], %parallel_loop3A_122 {strides = array<i32>} : memref<200x128xf32, #tpu.memory_space<vmem>>, vector<16xf32>,
      %parallel_loop3A_126 = arith.index_cast %parallel_loop3A_90 : i32 to index
      %parallel_loop3A_127 = arith.constant 80 : index
      %parallel_loop3A_128 = tpu.vector_load %arg6[%parallel_loop3A_126, %parallel_loop3A_127] {strides = array<i32>} : memref<200x128xi32, #tpu.memory_space<vmem>>, vector<16xi32>,
      %parallel_loop3A_129 = tpu.vector_load_idx %arg5[%parallel_loop3A_128] : memref<16xf32, #tpu.memory_space<vmem>>[vector<16xi32>], vector<16xf32>,
      %parallel_loop3A_130 = arith.index_cast %parallel_loop3A_90 : i32 to index
      %parallel_loop3A_131 = arith.constant 80 : index
      %parallel_loop3A_132 = tpu.vector_load %arg8[%parallel_loop3A_130, %parallel_loop3A_131] {strides = array<i32>} : memref<200x128xf32, #tpu.memory_space<vmem>>, vector<16xf32>,
      tpu.vector_store %arg8[%parallel_loop3A_130, %parallel_loop3A_131], %parallel_loop3A_129 {strides = array<i32>} : memref<200x128xf32, #tpu.memory_space<vmem>>, vector<16xf32>,
      %parallel_loop3A_133 = arith.index_cast %parallel_loop3A_90 : i32 to index
      %parallel_loop3A_134 = arith.constant 96 : index
      %parallel_loop3A_135 = tpu.vector_load %arg6[%parallel_loop3A_133, %parallel_loop3A_134] {strides = array<i32>} : memref<200x128xi32, #tpu.memory_space<vmem>>, vector<16xi32>,
      %parallel_loop3A_136 = tpu.vector_load_idx %arg5[%parallel_loop3A_135] : memref<16xf32, #tpu.memory_space<vmem>>[vector<16xi32>], vector<16xf32>,
      %parallel_loop3A_137 = arith.index_cast %parallel_loop3A_90 : i32 to index
      %parallel_loop3A_138 = arith.constant 96 : index
      %parallel_loop3A_139 = tpu.vector_load %arg8[%parallel_loop3A_137, %parallel_loop3A_138] {strides = array<i32>} : memref<200x128xf32, #tpu.memory_space<vmem>>, vector<16xf32>,
      tpu.vector_store %arg8[%parallel_loop3A_137, %parallel_loop3A_138], %parallel_loop3A_136 {strides = array<i32>} : memref<200x128xf32, #tpu.memory_space<vmem>>, vector<16xf32>,
      %parallel_loop3A_140 = arith.index_cast %parallel_loop3A_90 : i32 to index
      %parallel_loop3A_141 = arith.constant 112 : index
      %parallel_loop3A_142 = tpu.vector_load %arg6[%parallel_loop3A_140, %parallel_loop3A_141] {strides = array<i32>} : memref<200x128xi32, #tpu.memory_space<vmem>>, vector<16xi32>,
      %parallel_loop3A_143 = tpu.vector_load_idx %arg5[%parallel_loop3A_142] : memref<16xf32, #tpu.memory_space<vmem>>[vector<16xi32>], vector<16xf32>,
      %parallel_loop3A_144 = arith.index_cast %parallel_loop3A_90 : i32 to index
      %parallel_loop3A_145 = arith.constant 112 : index
      %parallel_loop3A_146 = tpu.vector_load %arg8[%parallel_loop3A_144, %parallel_loop3A_145] {strides = array<i32>} : memref<200x128xf32, #tpu.memory_space<vmem>>, vector<16xf32>,
      tpu.vector_store %arg8[%parallel_loop3A_144, %parallel_loop3A_145], %parallel_loop3A_143 {strides = array<i32>} : memref<200x128xf32, #tpu.memory_space<vmem>>, vector<16xf32>,
    } {sc.loop_unroll_factor = 4 : i64, sc.parallel_access}
    %add3A_59 = arith.constant 256 : i32
    %add3A_60 = arith.addi %mul3A_2, %add3A_59 : i32
    %dma_start3A_61 = arith.constant 0 : i32
    %dma_start3A_62 = tpu.memref_slice %arg4[%dma_start3A_61, %add3A_60] : memref<200x16384xf32, #tpu.memory_space<hbm>> -> memref<200x128xf32, #tpu.memory_space<hbm>>
    %dma_start3A_63 = arith.constant 0 : i32
    %dma_start3A_64 = tpu.memref_slice %arg4[%dma_start3A_63, %add3A_60] : memref<200x16384xf32, #tpu.memory_space<hbm>> -> memref<200x128xf32, #tpu.memory_space<hbm>>
    tpu.enqueue_dma source(%arg8 : memref<200x128xf32, #tpu.memory_space<vmem>>) target(%dma_start3A_64 : memref<200x128xf32, #tpu.memory_space<hbm>>) target_semaphore(%arg12 : memref<!tpu.dma_semaphore, #tpu.memory_space<semaphore_mem>>)
    %dma_wait3A_65 = arith.constant 0 : i32
    %dma_wait3A_66 = tpu.memref_slice %arg2[%dma_wait3A_65, %add3A_43] : memref<200x16384xi32, #tpu.memory_space<hbm>> -> memref<200x128xi32, #tpu.memory_space<hbm>>
    %dma_wait3A_67 = arith.constant 0 : i32
    %dma_wait3A_68 = tpu.memref_slice %arg2[%dma_wait3A_67, %add3A_43] : memref<200x16384xi32, #tpu.memory_space<hbm>> -> memref<200x128xi32, #tpu.memory_space<hbm>>
    tpu.wait_dma2 semaphore(%arg11 : memref<!tpu.dma_semaphore, #tpu.memory_space<semaphore_mem>>) src(%dma_wait3A_68 : memref<200x128xi32, #tpu.memory_space<hbm>>) dst(%arg7 : memref<200x128xi32, #tpu.memory_space<vmem>>)
    %dma_wait3A_69 = arith.constant 0 : i32
    %dma_wait3A_70 = tpu.memref_slice %arg4[%dma_wait3A_69, %add3A_37] : memref<200x16384xf32, #tpu.memory_space<hbm>> -> memref<200x128xf32, #tpu.memory_space<hbm>>
    %dma_wait3A_71 = arith.constant 0 : i32
    %dma_wait3A_72 = tpu.memref_slice %arg4[%dma_wait3A_71, %add3A_37] : memref<200x16384xf32, #tpu.memory_space<hbm>> -> memref<200x128xf32, #tpu.memory_space<hbm>>
    tpu.wait_dma2 semaphore(%arg13 : memref<!tpu.dma_semaphore, #tpu.memory_space<semaphore_mem>>) src(%arg9 : memref<200x128xf32, #tpu.memory_space<vmem>>) dst(%dma_wait3A_72 : memref<200x128xf32, #tpu.memory_space<hbm>>)
    %parallel_loop3A_73 = arith.constant 0 : i32
    %parallel_loop3A_74 = arith.constant 200 : i32
    %parallel_loop3A_75 = arith.constant 1 : i32
    scf.for %parallel_loop3A_90 = %parallel_loop3A_73 to %parallel_loop3A_74 step %parallel_loop3A_75  : i32 {
      %parallel_loop3A_91 = arith.index_cast %parallel_loop3A_90 : i32 to index
      %parallel_loop3A_92 = arith.constant 0 : index
      %parallel_loop3A_93 = tpu.vector_load %arg7[%parallel_loop3A_91, %parallel_loop3A_92] {strides = array<i32>} : memref<200x128xi32, #tpu.memory_space<vmem>>, vector<16xi32>,
      %parallel_loop3A_94 = tpu.vector_load_idx %arg5[%parallel_loop3A_93] : memref<16xf32, #tpu.memory_space<vmem>>[vector<16xi32>], vector<16xf32>,
      %parallel_loop3A_95 = arith.index_cast %parallel_loop3A_90 : i32 to index
      %parallel_loop3A_96 = arith.constant 0 : index
      %parallel_loop3A_97 = tpu.vector_load %arg9[%parallel_loop3A_95, %parallel_loop3A_96] {strides = array<i32>} : memref<200x128xf32, #tpu.memory_space<vmem>>, vector<16xf32>,
      tpu.vector_store %arg9[%parallel_loop3A_95, %parallel_loop3A_96], %parallel_loop3A_94 {strides = array<i32>} : memref<200x128xf32, #tpu.memory_space<vmem>>, vector<16xf32>,
      %parallel_loop3A_98 = arith.index_cast %parallel_loop3A_90 : i32 to index
      %parallel_loop3A_99 = arith.constant 16 : index
      %parallel_loop3A_100 = tpu.vector_load %arg7[%parallel_loop3A_98, %parallel_loop3A_99] {strides = array<i32>} : memref<200x128xi32, #tpu.memory_space<vmem>>, vector<16xi32>,
      %parallel_loop3A_101 = tpu.vector_load_idx %arg5[%parallel_loop3A_100] : memref<16xf32, #tpu.memory_space<vmem>>[vector<16xi32>], vector<16xf32>,
      %parallel_loop3A_102 = arith.index_cast %parallel_loop3A_90 : i32 to index
      %parallel_loop3A_103 = arith.constant 16 : index
      %parallel_loop3A_104 = tpu.vector_load %arg9[%parallel_loop3A_102, %parallel_loop3A_103] {strides = array<i32>} : memref<200x128xf32, #tpu.memory_space<vmem>>, vector<16xf32>,
      tpu.vector_store %arg9[%parallel_loop3A_102, %parallel_loop3A_103], %parallel_loop3A_101 {strides = array<i32>} : memref<200x128xf32, #tpu.memory_space<vmem>>, vector<16xf32>,
      %parallel_loop3A_105 = arith.index_cast %parallel_loop3A_90 : i32 to index
      %parallel_loop3A_106 = arith.constant 32 : index
      %parallel_loop3A_107 = tpu.vector_load %arg7[%parallel_loop3A_105, %parallel_loop3A_106] {strides = array<i32>} : memref<200x128xi32, #tpu.memory_space<vmem>>, vector<16xi32>,
      %parallel_loop3A_108 = tpu.vector_load_idx %arg5[%parallel_loop3A_107] : memref<16xf32, #tpu.memory_space<vmem>>[vector<16xi32>], vector<16xf32>,
      %parallel_loop3A_109 = arith.index_cast %parallel_loop3A_90 : i32 to index
      %parallel_loop3A_110 = arith.constant 32 : index
      %parallel_loop3A_111 = tpu.vector_load %arg9[%parallel_loop3A_109, %parallel_loop3A_110] {strides = array<i32>} : memref<200x128xf32, #tpu.memory_space<vmem>>, vector<16xf32>,
      tpu.vector_store %arg9[%parallel_loop3A_109, %parallel_loop3A_110], %parallel_loop3A_108 {strides = array<i32>} : memref<200x128xf32, #tpu.memory_space<vmem>>, vector<16xf32>,
      %parallel_loop3A_112 = arith.index_cast %parallel_loop3A_90 : i32 to index
      %parallel_loop3A_113 = arith.constant 48 : index
      %parallel_loop3A_114 = tpu.vector_load %arg7[%parallel_loop3A_112, %parallel_loop3A_113] {strides = array<i32>} : memref<200x128xi32, #tpu.memory_space<vmem>>, vector<16xi32>,
      %parallel_loop3A_115 = tpu.vector_load_idx %arg5[%parallel_loop3A_114] : memref<16xf32, #tpu.memory_space<vmem>>[vector<16xi32>], vector<16xf32>,
      %parallel_loop3A_116 = arith.index_cast %parallel_loop3A_90 : i32 to index
      %parallel_loop3A_117 = arith.constant 48 : index
      %parallel_loop3A_118 = tpu.vector_load %arg9[%parallel_loop3A_116, %parallel_loop3A_117] {strides = array<i32>} : memref<200x128xf32, #tpu.memory_space<vmem>>, vector<16xf32>,
      tpu.vector_store %arg9[%parallel_loop3A_116, %parallel_loop3A_117], %parallel_loop3A_115 {strides = array<i32>} : memref<200x128xf32, #tpu.memory_space<vmem>>, vector<16xf32>,
      %parallel_loop3A_119 = arith.index_cast %parallel_loop3A_90 : i32 to index
      %parallel_loop3A_120 = arith.constant 64 : index
      %parallel_loop3A_121 = tpu.vector_load %arg7[%parallel_loop3A_119, %parallel_loop3A_120] {strides = array<i32>} : memref<200x128xi32, #tpu.memory_space<vmem>>, vector<16xi32>,
      %parallel_loop3A_122 = tpu.vector_load_idx %arg5[%parallel_loop3A_121] : memref<16xf32, #tpu.memory_space<vmem>>[vector<16xi32>], vector<16xf32>,
      %parallel_loop3A_123 = arith.index_cast %parallel_loop3A_90 : i32 to index
      %parallel_loop3A_124 = arith.constant 64 : index
      %parallel_loop3A_125 = tpu.vector_load %arg9[%parallel_loop3A_123, %parallel_loop3A_124] {strides = array<i32>} : memref<200x128xf32, #tpu.memory_space<vmem>>, vector<16xf32>,
      tpu.vector_store %arg9[%parallel_loop3A_123, %parallel_loop3A_124], %parallel_loop3A_122 {strides = array<i32>} : memref<200x128xf32, #tpu.memory_space<vmem>>, vector<16xf32>,
      %parallel_loop3A_126 = arith.index_cast %parallel_loop3A_90 : i32 to index
      %parallel_loop3A_127 = arith.constant 80 : index
      %parallel_loop3A_128 = tpu.vector_load %arg7[%parallel_loop3A_126, %parallel_loop3A_127] {strides = array<i32>} : memref<200x128xi32, #tpu.memory_space<vmem>>, vector<16xi32>,
      %parallel_loop3A_129 = tpu.vector_load_idx %arg5[%parallel_loop3A_128] : memref<16xf32, #tpu.memory_space<vmem>>[vector<16xi32>], vector<16xf32>,
      %parallel_loop3A_130 = arith.index_cast %parallel_loop3A_90 : i32 to index
      %parallel_loop3A_131 = arith.constant 80 : index
      %parallel_loop3A_132 = tpu.vector_load %arg9[%parallel_loop3A_130, %parallel_loop3A_131] {strides = array<i32>} : memref<200x128xf32, #tpu.memory_space<vmem>>, vector<16xf32>,
      tpu.vector_store %arg9[%parallel_loop3A_130, %parallel_loop3A_131], %parallel_loop3A_129 {strides = array<i32>} : memref<200x128xf32, #tpu.memory_space<vmem>>, vector<16xf32>,
      %parallel_loop3A_133 = arith.index_cast %parallel_loop3A_90 : i32 to index
      %parallel_loop3A_134 = arith.constant 96 : index
      %parallel_loop3A_135 = tpu.vector_load %arg7[%parallel_loop3A_133, %parallel_loop3A_134] {strides = array<i32>} : memref<200x128xi32, #tpu.memory_space<vmem>>, vector<16xi32>,
      %parallel_loop3A_136 = tpu.vector_load_idx %arg5[%parallel_loop3A_135] : memref<16xf32, #tpu.memory_space<vmem>>[vector<16xi32>], vector<16xf32>,
      %parallel_loop3A_137 = arith.index_cast %parallel_loop3A_90 : i32 to index
      %parallel_loop3A_138 = arith.constant 96 : index
      %parallel_loop3A_139 = tpu.vector_load %arg9[%parallel_loop3A_137, %parallel_loop3A_138] {strides = array<i32>} : memref<200x128xf32, #tpu.memory_space<vmem>>, vector<16xf32>,
      tpu.vector_store %arg9[%parallel_loop3A_137, %parallel_loop3A_138], %parallel_loop3A_136 {strides = array<i32>} : memref<200x128xf32, #tpu.memory_space<vmem>>, vector<16xf32>,
      %parallel_loop3A_140 = arith.index_cast %parallel_loop3A_90 : i32 to index
      %parallel_loop3A_141 = arith.constant 112 : index
      %parallel_loop3A_142 = tpu.vector_load %arg7[%parallel_loop3A_140, %parallel_loop3A_141] {strides = array<i32>} : memref<200x128xi32, #tpu.memory_space<vmem>>, vector<16xi32>,
      %parallel_loop3A_143 = tpu.vector_load_idx %arg5[%parallel_loop3A_142] : memref<16xf32, #tpu.memory_space<vmem>>[vector<16xi32>], vector<16xf32>,
      %parallel_loop3A_144 = arith.index_cast %parallel_loop3A_90 : i32 to index
      %parallel_loop3A_145 = arith.constant 112 : index
      %parallel_loop3A_146 = tpu.vector_load %arg9[%parallel_loop3A_144, %parallel_loop3A_145] {strides = array<i32>} : memref<200x128xf32, #tpu.memory_space<vmem>>, vector<16xf32>,
      tpu.vector_store %arg9[%parallel_loop3A_144, %parallel_loop3A_145], %parallel_loop3A_143 {strides = array<i32>} : memref<200x128xf32, #tpu.memory_space<vmem>>, vector<16xf32>,
    } {sc.loop_unroll_factor = 4 : i64, sc.parallel_access}
    %add3A_76 = arith.constant 384 : i32
    %add3A_77 = arith.addi %mul3A_2, %add3A_76 : i32
    %dma_start3A_78 = arith.constant 0 : i32
    %dma_start3A_79 = tpu.memref_slice %arg4[%dma_start3A_78, %add3A_77] : memref<200x16384xf32, #tpu.memory_space<hbm>> -> memref<200x128xf32, #tpu.memory_space<hbm>>
    %dma_start3A_80 = arith.constant 0 : i32
    %dma_start3A_81 = tpu.memref_slice %arg4[%dma_start3A_80, %add3A_77] : memref<200x16384xf32, #tpu.memory_space<hbm>> -> memref<200x128xf32, #tpu.memory_space<hbm>>
    tpu.enqueue_dma source(%arg9 : memref<200x128xf32, #tpu.memory_space<vmem>>) target(%dma_start3A_81 : memref<200x128xf32, #tpu.memory_space<hbm>>) target_semaphore(%arg13 : memref<!tpu.dma_semaphore, #tpu.memory_space<semaphore_mem>>)
    %dma_wait3A_82 = arith.constant 0 : i32
    %dma_wait3A_83 = tpu.memref_slice %arg4[%dma_wait3A_82, %add3A_60] : memref<200x16384xf32, #tpu.memory_space<hbm>> -> memref<200x128xf32, #tpu.memory_space<hbm>>
    %dma_wait3A_84 = arith.constant 0 : i32
    %dma_wait3A_85 = tpu.memref_slice %arg4[%dma_wait3A_84, %add3A_60] : memref<200x16384xf32, #tpu.memory_space<hbm>> -> memref<200x128xf32, #tpu.memory_space<hbm>>
    tpu.wait_dma2 semaphore(%arg12 : memref<!tpu.dma_semaphore, #tpu.memory_space<semaphore_mem>>) src(%arg8 : memref<200x128xf32, #tpu.memory_space<vmem>>) dst(%dma_wait3A_85 : memref<200x128xf32, #tpu.memory_space<hbm>>)
    %dma_wait3A_86 = arith.constant 0 : i32
    %dma_wait3A_87 = tpu.memref_slice %arg4[%dma_wait3A_86, %add3A_77] : memref<200x16384xf32, #tpu.memory_space<hbm>> -> memref<200x128xf32, #tpu.memory_space<hbm>>
    %dma_wait3A_88 = arith.constant 0 : i32
    %dma_wait3A_89 = tpu.memref_slice %arg4[%dma_wait3A_88, %add3A_77] : memref<200x16384xf32, #tpu.memory_space<hbm>> -> memref<200x128xf32, #tpu.memory_space<hbm>>
    tpu.wait_dma2 semaphore(%arg13 : memref<!tpu.dma_semaphore, #tpu.memory_space<semaphore_mem>>) src(%arg9 : memref<200x128xf32, #tpu.memory_space<vmem>>) dst(%dma_wait3A_89 : memref<200x128xf32, #tpu.memory_space<hbm>>)
    return
  }
}

</mosaic_0001>

<sc_bundles>
// kernel: kernel.3.cloned.1.call-start
scs
__scs_entry_jumppad:
0x0: {  	(pc) =	sbr.rel $0x88, $3  }
0x1: {  	(tag) =	ssettag $0x0;
	lr =	simm.s32 $0x1  }
0x2: {  	[smem:$0x3F9F] =	sst lr;
	_ =	strace $0xD0000000  }
0x3: {  	_ = 	snop  }
0x4: {  	_ = 	snop  }
0x5: {  	_ = 	snop  }
0x6: {  	_ = 	snop  }
0x7: {  	_ = 	snop  }
__scs_overlays_trampoline_lowered:
0x8: {  	[smem:$0x3FAE] =	sst s0  }
0x9: {  	[smem:$0x3FAF] =	sst s1  }
0xa: {  	[smem:$0x3FB0] =	sst s2  }
0xb: {  	[smem:$0x3FB1] =	sst s3  }
0xc: {  	[smem:$0x3FB2] =	sst s4  }
0xd: {  	[smem:$0x3FB3] =	sst s5  }
0xe: {  	[smem:$0x3FB4] =	sst s6  }
0xf: {  	[smem:$0x3FB5] =	sst s7  }
0x10: {  	[smem:$0x3FB6] =	sst s8  }
0x11: {  	[smem:$0x3FB7] =	sst s9;
	s0 =	simm.s32 @!p0 $0x0  }
0x12: {  	s1 =	sld [smem:$0x3F9D];
	s0 =	simm.s32 @p0 $0x1  }
0x13: {  	[smem:$0x3FB8] =	sst s0;
	s0 =	simm.s32 @!p1 $0x0  }
0x14: {  	s2 =	sld [smem:$0x3F9C];
	s0 =	simm.s32 @p1 $0x1  }
0x15: {  	[smem:$0x3FB9] =	sst s0;
	s0 =	simm.s32 @!p2 $0x0  }
0x16: {  	s3 =	sld [smem:$0x3FDB];
	s0 =	simm.s32 @p2 $0x1  }
0x17: {  	s4 =	simm.s32 $0x1BF5;
	[smem:$0x3FBB] =	sst s0  }
0x18: {  	s0 =	sld [smem:$0x3F9E];
	_ =	swait.ge [sflag:s4], $0x0  }
0x19: {  	s7 =	sld [smem:$0x3F9F]  }
0x1a: {  	s8 =	sadd.s32 $0xFFFFE003, lr  }
0x1b: {  	s9 =	sadd.s32 $0xFFFFFEF7, lr;
	s5 =	simm.s32 $0xFFFFFFFF;
	p2 =	slt.u32 s8, $0xFFFFF086  }
0x1c: {  	p1 =	slt.u32 s9, $0xF7A;
	s5 =	simm.s32 @!p2 $0x0  }
0x1d: {  	s5 =	simm.s32 @p1 $0x1;
	p0 =	seq.s32 s7, s2  }
0x1e: {  	s7 =	smul.u32 @!p0 $0xF7A, s2;
	p2 =	seq.s32 @!p0 s5, $0x0  }
0x1f: {  	s9 =	smul.u32 $0xF7A, s1;
	s8 =	simm.s32 @!p0 $0x1BF5;
	p2 =	por !p2, p0  }
0x20: {  	[sflag:s8] =	ssyncset.s32 @!p0 $0xFFFFF086;
	s6 =	sadd.s32 @!p0 s3, s7;
	s7 =	simm.s32 @!p0 $0x108  }
0x21: {  	s3 =	sadd.s32 s3, s9;
	s6 =	sadd.s32 @!p0 $0x88, s6;
	s7 =	simm.s32 @p2 $0x1082  }
0x22: {  	[simem:s7], [sflag:s8] =	dma.local @!p0 [hbm:s6], $0xF7A  }
0x23: {  	s9 =	sor.u32 $0xD0000000, s2;
	s6 =	simm.s32 $0x108;
	_ =	swait.ge @!p0 [sflag:s8], $0x0  }
0x24: {  	s3 =	sadd.s32 $0x88, s3;
	s6 =	simm.s32 @!p1 $0x1082;
	[sflag:s4] =	ssyncset.s32 $0xFFFFF086  }
0x25: {  	[simem:s6], [sflag:s4] =	dma.local [hbm:s3], $0xF7A  }
0x26: {  	[smem:$0x3F9F] =	sst s1;
	(tag) =	ssettag s2;
	_ =	strace s9  }
0x27: {  	s1 =	sld [smem:$0x3FAF]  }
0x28: {  	s2 =	sld [smem:$0x3FB0]  }
0x29: {  	s4 =	sld [smem:$0x3FB2]  }
0x2a: {  	p0 =	seq.s32 s5, $0x0;
	s5 =	sld [smem:$0x3FB3]  }
0x2b: {  	s6 =	sld [smem:$0x3FB4]  }
0x2c: {  	s7 =	sld [smem:$0x3FB5]  }
0x2d: {  	s3 =	simm.s32 $0x108;
	s8 =	sld [smem:$0x3FB6]  }
0x2e: {  	s3 =	simm.s32 @!p0 $0x1082;
	s9 =	sld [smem:$0x3FB7]  }
0x2f: {  	lr =	sadd.s32 s0, s3;
	s0 =	sld [smem:$0x3FAE]  }
0x30: {  	s3 =	sld [smem:$0x3FB1]  }
0x31: {  	[smem:$0x3FBA] =	sst s10  }
0x32: {  	s10 =	sld [smem:$0x3FB8];
	_ =	sdelay $0x3  }
0x33: {  	p0 =	seq.s32 s10, $0x1;
	s10 =	sld [smem:$0x3FBA];
	_ =	sdelay $0x3  }
0x34: {  	[smem:$0x3FBA] =	sst s10  }
0x35: {  	s10 =	sld [smem:$0x3FB9];
	_ =	sdelay $0x3  }
0x36: {  	p1 =	seq.s32 s10, $0x1;
	s10 =	sld [smem:$0x3FBA];
	_ =	sdelay $0x3  }
0x37: {  	[smem:$0x3FBA] =	sst s10  }
0x38: {  	s10 =	sld [smem:$0x3FBB]  }
0x39: {  	_ = 	snop;
	(pc) =	sbr.ind lr, $3  }
0x3a: {  	_ = 	snop  }
0x3b: {  	_ = 	snop  }
0x3c: {  	p2 =	seq.s32 s10, $0x1;
	s10 =	sld [smem:$0x3FBA]  }
0x3d: {  	_ =	shalt  }
0x3e: {  	_ =	shalt  }
0x3f: {  	_ =	shalt  }
0x40: {  	_ =	shalt  }
0x41: {  	_ =	shalt  }
0x42: {  	_ =	shalt  }
0x43: {  	_ =	shalt  }
0x44: {  	_ =	shalt  }
0x45: {  	_ =	shalt  }
0x46: {  	_ =	shalt  }
0x47: {  	_ =	shalt  }
0x48: {  	_ =	shalt  }
0x49: {  	_ =	shalt  }
0x4a: {  	_ =	shalt  }
0x4b: {  	_ =	shalt  }
0x4c: {  	_ =	shalt  }
0x4d: {  	_ =	shalt  }
0x4e: {  	_ =	shalt  }
0x4f: {  	_ =	shalt  }
0x50: {  	_ =	shalt  }
0x51: {  	_ =	shalt  }
0x52: {  	_ =	shalt  }
0x53: {  	_ =	shalt  }
0x54: {  	_ =	shalt  }
0x55: {  	_ =	shalt  }
0x56: {  	_ =	shalt  }
0x57: {  	_ =	shalt  }
0x58: {  	_ =	shalt  }
0x59: {  	_ =	shalt  }
0x5a: {  	_ =	shalt  }
0x5b: {  	_ =	shalt  }
0x5c: {  	_ =	shalt  }
0x5d: {  	_ =	shalt  }
0x5e: {  	_ =	shalt  }
0x5f: {  	_ =	shalt  }
0x60: {  	_ =	shalt  }
0x61: {  	_ =	shalt  }
0x62: {  	_ =	shalt  }
0x63: {  	_ =	shalt  }
0x64: {  	_ =	shalt  }
0x65: {  	_ =	shalt  }
0x66: {  	_ =	shalt  }
0x67: {  	_ =	shalt  }
0x68: {  	_ =	shalt  }
0x69: {  	_ =	shalt  }
0x6a: {  	_ =	shalt  }
0x6b: {  	_ =	shalt  }
0x6c: {  	_ =	shalt  }
0x6d: {  	_ =	shalt  }
0x6e: {  	_ =	shalt  }
0x6f: {  	_ =	shalt  }
0x70: {  	_ =	shalt  }
0x71: {  	_ =	shalt  }
0x72: {  	_ =	shalt  }
0x73: {  	_ =	shalt  }
0x74: {  	_ =	shalt  }
0x75: {  	_ =	shalt  }
0x76: {  	_ =	shalt  }
0x77: {  	_ =	shalt  }
0x78: {  	_ =	shalt  }
0x79: {  	_ =	shalt  }
0x7a: {  	_ =	shalt  }
0x7b: {  	_ =	shalt  }
0x7c: {  	_ =	shalt  }
0x7d: {  	_ =	shalt  }
0x7e: {  	_ =	shalt  }
0x7f: {  	_ =	shalt  }
0x80: {  	_ =	shalt  }
0x81: {  	_ =	shalt  }
0x82: {  	_ =	shalt  }
0x83: {  	_ =	shalt  }
0x84: {  	_ =	shalt  }
0x85: {  	_ =	shalt  }
0x86: {  	_ =	shalt  }
0x87: {  	_ =	shalt  }
.Lfunc_end0:
.L_simem_size_0:
called_computation_lowered:
.L_overlay_start_0:
0x88: {  	s2 =	sld [smem:$0x3FD9]  }
0x89: {  	s3 =	sld [smem:$0x3FFE];
	_ =	sdelay $0x1  }
0x8a: {  	s1 =	srdreg.scid  }
0x8b: {  	s0 =	sand.u32 $0x1, s1  }
0x8c: {  	s18 =	sshll.u32 s0, $0xA;
	s2 =	sadd.s32 s3, s2  }
0x8d: {  	s2 =	sadd.s32 s2, s18  }
0x8e: {  	[smem:$0x3FC6] =	sst s2  }
0x8f: {  	_ = 	snop  }
0x90: {  	s2 =	sld [smem:$0x3FC9]  }
0x91: {  	s19 =	sld [smem:$0x3FC8]  }
0x92: {  	s4 =	sld [smem:$0x3FD0];
	(tm) =	ssettm $0x1  }
0x93: {  	s5 =	sld [smem:$0x3FFB];
	_ =	sdelay $0x3  }
0x94: {  	_ =	strace s5  }
0x95: {  	s5 =	sld [smem:$0x3FFC];
	_ =	sdelay $0x3  }
0x96: {  	_ =	strace s5  }
0x97: {  	s5 =	sld [smem:$0x3FFD];
	_ =	sdelay $0x3  }
0x98: {  	_ =	strace s5  }
0x99: {  	_ =	strace $0x8FFFFFFF  }
0x9a: {  	s20 =	sld [smem:$0x3FDB];
	_ =	sdelay $0x1  }
0x9b: {  	s6 =	simm.s32 $_scs_section_size  }
0x9c: {  	s7 =	simm.s32 $_size__tile_overlayer_lowered;
	s8 =	simm.s32 $_tile_overlayer_lowered  }
0x9d: {  	s23 =	simm.s32 $0x1BFF;
	s22 =	sshll.u32 s8, $0x1;
	s5 =	sadd.s32 s6, s20  }
0x9e: {  	s9 =	simm.s32 $0x0;
	s21 =	sshll.u32 s7, $0x1;
	s7 =	sadd.s32 s22, s5  }
0x9f: {  	[timem:s9], [sflag:s23] =	dma.local [hbm:s7], s21  }
0xa0: {  	_ =	swait.ge [sflag:s23], s21  }
0xa1: {  	s6 =	ssub.s32 $0x0, s21;
	[sflag:s23] =	ssyncset.done $0x0  }
0xa2: {  	[sflag:s23] =	ssyncadd.s32 s6;
	_ =	sdelay $0x1  }
0xa3: {  	s24 =	simm.s32 $0x1B8B  }
0xa4: {  	_ =	swait.ge [sflag:s24], $0x1  }
0xa5: {  	[sflag:s24] =	ssyncset.done $0x0  }
0xa6: {  	s25 =	simm.s32 $0x1B8E;
	[sflag:s24] =	ssyncadd.s32 $0xFFFFFFFF  }
0xa7: {  	s26 =	simm.s32 $execute0_lowered;
	[smem:$0x3FD2] =	sst s25  }
0xa8: {  	s6 =	sshll.u32 s26, $0x1;
	_ =	strace $0x80000046;
	[dreg:$0x1] =	wrdreg $0xFFFFFFFF  }
0xa9: {  	s28 =	simm.s32 $_size_execute0_lowered;
	s5 =	sadd.s32 s5, s6;
	[dreg:$0x0] =	wrdreg $0x0  }
0xaa: {  	s6 =	sshll.u32 s28, $0x1;
	[dreg:$0x2] =	wrdreg s5  }
0xab: {  	[dreg:$0x3] =	wrdreg s6  }
0xac: {  	[dreg:$0x4] =	wrdreg $0xC0  }
0xad: {  	_ =	task [dreg:s9], $0x5FFFF  }
0xae: {  	[dreg:$0x1] =	wrdreg $0xFFFFFFFF  }
0xaf: {  	[dreg:$0x0] =	wrdreg $0x60  }
0xb0: {  	[dreg:$0x2] =	wrdreg s2  }
0xb1: {  	[dreg:$0x3] =	wrdreg s19  }
0xb2: {  	[dreg:$0x4] =	wrdreg s4  }
0xb3: {  	[dreg:$0x5] =	wrdreg $0x9  }
0xb4: {  	_ =	task.clear_ibuf [dreg:s9], $0x6FFFF;
	_ =	strace $0x90000046  }
0xb5: {  	s29 =	simm.s32 $0x9;
	_ =	strace $0x80000048  }
0xb6: {  	_ =	swait.ge [sflag:s29], $0x1  }
0xb7: {  	[sflag:s29] =	ssyncadd.s32 $0xFFFFFFFF  }
0xb8: {  	_ =	strace $0x90000048  }
0xb9: {  	_ =	sfence  }
0xba: {  	s30 =	sld [smem:$0x0];
	_ =	sdelay $0x2  }
0xbb: {  	s31 =	sshll.u32 s1, $0xD;
	s1 =	sshrl.u32 s1, $0x2  }
0xbc: {  	s3 =	sand.u32 $0x4000, s31;
	s1 =	sadd.s32 s1, s30  }
0xbd: {  	s0 =	sor.u32 s3, s0;
	s1 =	sshll.u32 s1, $0x11  }
0xbe: {  	s0 =	sor.u32 s1, s0  }
0xbf: {  	s0 =	sadd.s32 $0x8F2B, s0  }
0xc0: {  	[sflag:s0] =	ssyncadd.remote.s32 $0x1  }
0xc1: {  	_ =	sfence.sel $0xFFFF  }
0xc2: {  	[dreg:$0x0] =	wrdreg $0xFFFFFFFF;
	(pc) =	sbr.abs _section_cstart, $3  }
0xc3: {  	[dreg:$0x1] =	wrdreg $0xFFFFFFFF  }
0xc4: {  	_ =	task.clear_ibuf [dreg:s9], $0x2FFFF;
	_ =	strace $0x9FFFFFFF  }
0xc5: {  	(tm) =	ssettm $0x7FFFFFFF  }
tec
execute0_lowered:
.L_overlay_start_1:
0x0: {  	(tag) =	ssettag $0x1  }
0x1: {  	s9 =	rddreg [dreg:$0x0]  }
0x2: {  	s2 =	rddreg [dreg:$0x1]  }
0x3: {  	s11 =	rddreg [dreg:$0x2];
	s3 =	srdreg.scid  }
0x4: {  	s0 =	rddreg [dreg:$0x3];
	s1 =	stileid.u32;
	s14 =	simm.s32 $0x20000  }
0x5: {  	s15 =	simm.s32 $0x80;
	s16 =	simm.s32 $0x5;
	s17 =	simm.s32 $0x6480  }
0x6: {  	s18 =	simm.s32 $0x1;
	s19 =	simm.s32 $0xC880;
	s20 =	simm.s32 $0x2  }
0x7: {  	s21 =	simm.s32 $0x12C80;
	s22 =	simm.s32 $0x3;
	s23 =	simm.s32 $0x4  }
0x8: {  	s24 =	simm.s32 $0x0;
	s4 =	sand.u32 $0x1, s3;
	s3 =	simm.s32 $0x0  }
0x9: {  	s5 =	sshll.u32 s1, $0xA;
	s6 =	sshll.u32 s4, $0x9;
	s4 =	ssub.s32 $0x2, s4  }
0xa: {  	[smem:$0x7FF] =	sst s3;
	s7 =	sor.u32 s6, s5;
	s31 =	sshrl.u32 s4, $0x1  }
0xb: {  	_ =	strace $0x80000047;
	s8 =	sor.u32 $0x80, s7;
	s12 =	ssub.s32 s4, s31  }
0xc: {  	s4 =	sadd.s32 s9, s7;
	s6 =	sadd.s32 s11, s7;
	s10 =	sor.u32 $0x100, s7  }
0xd: {  	s13 =	sor.u32 $0x180, s7;
	s5 =	sadd.s32 s9, s8;
	s7 =	sadd.s32 s9, s10  }
0xe: {  	s8 =	sadd.s32 s11, s8;
	s9 =	sadd.s32 s9, s13;
	s10 =	sadd.s32 s11, s10  }
0xf: {  	s11 =	sadd.s32 s11, s13;
	s12 =	smax.u32 s12, $0x1;
	s13 =	simm.s32 $0x400  }
.LBB2_1:
0x10: {  	[tilespmem:s15], [sflag:$0x1] =	stream.strided.gather [hbm4b:s4+s13], $0x6400, s14, s13, $0x38;
	[tilespmem:$0x19080] =	vst v63  }
0x11: {  	_ = 	snop  }
0x12: {  	[tilespmem:s3], [sflag:$0x5] =	stream.linear.gather [hbm4b:s2+s3], $0x80, $0x38;
	[tilespmem:$0x19080] =	vst v63  }
0x13: {  	_ =	swait.ge [sflag:s16], $0x80  }
0x14: {  	[sflag:s16] =	ssyncset.done $0x0  }
0x15: {  	[sflag:s16] =	ssyncadd.s32 $0xFFFFFF80  }
0x16: {  	[tilespmem:s17], [sflag:$0x2] =	stream.strided.gather [hbm4b:s5+s13], $0x6400, s14, s13, $0x38;
	[tilespmem:$0x19080] =	vst v63  }
0x17: {  	_ =	swait.ge [sflag:s18], $0x6400  }
0x18: {  	[sflag:s18] =	ssyncset.done $0x0  }
0x19: {  	s29 =	simm.s32 $0x180;
	[sflag:s18] =	ssyncadd.s32 $0xFFFF9C00  }
0x1a: {  	v0 =	vld [tilespmem:s29+$0x80]  }
0x1b: {  	v1 =	vld [tilespmem:s29+$0xFFFFFF80]  }
0x1c: {  	v2 =	vld [tilespmem:s29+$0x0];
	_ =	sdelay $0x2  }
0x1d: {  	v3 =	vld [tilespmem:s29+$0xFFFFFF00];
	_ =	sdelay $0x2  }
0x1e: {  	v0 =	vld.idx.msk [tilespmem:v0+s3+$0x0], $0xffff  }
0x1f: {  	v1 =	vld.idx.msk [tilespmem:v1+s3+$0x0], $0xffff  }
0x20: {  	v2 =	vld.idx.msk [tilespmem:v2+s3+$0x0], $0xffff;
	_ =	sdelay $0x1  }
0x21: {  	s25 =	simm.s32 $0xC980  }
0x22: {  	v3 =	vld.idx.msk [tilespmem:v3+s3+$0x0], $0xffff;
	[tilespmem:s25+$0x80] =	vst v0  }
0x23: {  	[tilespmem:s25+$0xFFFFFF80] =	vst v1;
	v0 =	vld [tilespmem:s29+$0x90]  }
0x24: {  	[tilespmem:s25+$0x0] =	vst v2;
	v1 =	vld [tilespmem:s29+$0xFFFFFF90]  }
0x25: {  	v2 =	vld [tilespmem:s29+$0x10];
	_ =	sdelay $0x1  }
0x26: {  	[tilespmem:s25+$0xFFFFFF00] =	vst v3  }
0x27: {  	v3 =	vld [tilespmem:s29+$0xFFFFFF10];
	_ =	sdelay $0x2  }
0x28: {  	v0 =	vld.idx.msk [tilespmem:v0+s3+$0x0], $0xffff  }
0x29: {  	v1 =	vld.idx.msk [tilespmem:v1+s3+$0x0], $0xffff  }
0x2a: {  	v2 =	vld.idx.msk [tilespmem:v2+s3+$0x0], $0xffff;
	_ =	sdelay $0x2  }
0x2b: {  	v3 =	vld.idx.msk [tilespmem:v3+s3+$0x0], $0xffff;
	[tilespmem:s25+$0x90] =	vst v0  }
0x2c: {  	[tilespmem:s25+$0xFFFFFF90] =	vst v1;
	v0 =	vld [tilespmem:s29+$0xA0]  }
0x2d: {  	[tilespmem:s25+$0x10] =	vst v2;
	v1 =	vld [tilespmem:s29+$0xFFFFFFA0]  }
0x2e: {  	v2 =	vld [tilespmem:s29+$0x20];
	_ =	sdelay $0x1  }
0x2f: {  	[tilespmem:s25+$0xFFFFFF10] =	vst v3  }
0x30: {  	v3 =	vld [tilespmem:s29+$0xFFFFFF20]  }
0x31: {  	s26 =	simm.s32 $0x380  }
0x32: {  	v4 =	vld [tilespmem:s26+$0x80]  }
0x33: {  	v0 =	vld.idx.msk [tilespmem:v0+s3+$0x0], $0xffff  }
0x34: {  	v1 =	vld.idx.msk [tilespmem:v1+s3+$0x0], $0xffff  }
0x35: {  	v2 =	vld.idx.msk [tilespmem:v2+s3+$0x0], $0xffff;
	_ =	sdelay $0x1  }
0x36: {  	v5 =	vld [tilespmem:s26+$0xFFFFFF80]  }
0x37: {  	v3 =	vld.idx.msk [tilespmem:v3+s3+$0x0], $0xffff;
	[tilespmem:s25+$0xA0] =	vst v0  }
0x38: {  	[tilespmem:s25+$0xFFFFFFA0] =	vst v1;
	v0 =	vld [tilespmem:s29+$0xB0]  }
0x39: {  	[tilespmem:s25+$0x20] =	vst v2;
	v1 =	vld [tilespmem:s29+$0xFFFFFFB0]  }
0x3a: {  	v2 =	vld [tilespmem:s29+$0x30];
	_ =	sdelay $0x1  }
0x3b: {  	v4 =	vld.idx.msk [tilespmem:v4+s3+$0x0], $0xffff;
	[tilespmem:s25+$0xFFFFFF20] =	vst v3  }
0x3c: {  	v3 =	vld [tilespmem:s29+$0xFFFFFF30]  }
0x3d: {  	v5 =	vld.idx.msk [tilespmem:v5+s3+$0x0], $0xffff  }
0x3e: {  	v6 =	vld [tilespmem:s26+$0x0]  }
0x3f: {  	v0 =	vld.idx.msk [tilespmem:v0+s3+$0x0], $0xffff  }
0x40: {  	s28 =	simm.s32 $0xCB80;
	v1 =	vld.idx.msk [tilespmem:v1+s3+$0x0], $0xffff  }
0x41: {  	[tilespmem:s28+$0x80] =	vst v4;
	v2 =	vld.idx.msk [tilespmem:v2+s3+$0x0], $0xffff  }
0x42: {  	[tilespmem:s28+$0xFFFFFF80] =	vst v5;
	v4 =	vld [tilespmem:s26+$0x90]  }
0x43: {  	v5 =	vld [tilespmem:s26+$0xFFFFFF90]  }
0x44: {  	v3 =	vld.idx.msk [tilespmem:v3+s3+$0x0], $0xffff;
	[tilespmem:s25+$0xB0] =	vst v0  }
0x45: {  	[tilespmem:s25+$0xFFFFFFB0] =	vst v1;
	v0 =	vld [tilespmem:s29+$0xC0]  }
0x46: {  	[tilespmem:s25+$0x30] =	vst v2;
	v1 =	vld [tilespmem:s29+$0xFFFFFFC0]  }
0x47: {  	v2 =	vld [tilespmem:s29+$0x40]  }
0x48: {  	v7 =	vld [tilespmem:s26+$0xFFFFFF00]  }
0x49: {  	v6 =	vld.idx.msk [tilespmem:v6+s3+$0x0], $0xffff  }
0x4a: {  	v4 =	vld.idx.msk [tilespmem:v4+s3+$0x0], $0xffff;
	[tilespmem:s25+$0xFFFFFF30] =	vst v3  }
0x4b: {  	v3 =	vld [tilespmem:s29+$0xFFFFFF40]  }
0x4c: {  	v5 =	vld.idx.msk [tilespmem:v5+s3+$0x0], $0xffff  }
0x4d: {  	v0 =	vld.idx.msk [tilespmem:v0+s3+$0x0], $0xffff  }
0x4e: {  	v1 =	vld.idx.msk [tilespmem:v1+s3+$0x0], $0xffff  }
0x4f: {  	[tilespmem:s28+$0x0] =	vst v6;
	v2 =	vld.idx.msk [tilespmem:v2+s3+$0x0], $0xffff  }
0x50: {  	[tilespmem:s28+$0x90] =	vst v4  }
0x51: {  	v7 =	vld.idx.msk [tilespmem:v7+s3+$0x0], $0xffff;
	[tilespmem:s28+$0xFFFFFF90] =	vst v5  }
0x52: {  	v5 =	vld [tilespmem:s26+$0xA0];
	[tilespmem:s25+$0xC0] =	vst v0  }
0x53: {  	[tilespmem:s25+$0xFFFFFFC0] =	vst v1;
	v1 =	vld.idx.msk [tilespmem:v3+s3+$0x0], $0xffff  }
0x54: {  	[tilespmem:s25+$0x40] =	vst v2;
	v2 =	vld [tilespmem:s26+$0x10]  }
0x55: {  	v0 =	vld [tilespmem:s29+$0xD0]  }
0x56: {  	v3 =	vld [tilespmem:s29+$0xFFFFFFD0]  }
0x57: {  	[tilespmem:s28+$0xFFFFFF00] =	vst v7;
	v6 =	vld [tilespmem:s29+$0x50]  }
0x58: {  	[tilespmem:s25+$0xFFFFFF40] =	vst v1;
	v1 =	vld [tilespmem:s26+$0xFFFFFF10]  }
0x59: {  	v7 =	vld [tilespmem:s29+$0xFFFFFF50];
	_ =	sdelay $0x1  }
0x5a: {  	v5 =	vld.idx.msk [tilespmem:v5+s3+$0x0], $0xffff  }
0x5b: {  	v2 =	vld.idx.msk [tilespmem:v2+s3+$0x0], $0xffff  }
0x5c: {  	v0 =	vld.idx.msk [tilespmem:v0+s3+$0x0], $0xffff  }
0x5d: {  	v3 =	vld.idx.msk [tilespmem:v3+s3+$0x0], $0xffff  }
0x5e: {  	v6 =	vld.idx.msk [tilespmem:v6+s3+$0x0], $0xffff  }
0x5f: {  	v1 =	vld.idx.msk [tilespmem:v1+s3+$0x0], $0xffff  }
0x60: {  	v4 =	vld.idx.msk [tilespmem:v7+s3+$0x0], $0xffff  }
0x61: {  	[tilespmem:s28+$0x10] =	vst v2;
	v7 =	vld [tilespmem:s26+$0xFFFFFFA0]  }
0x62: {  	[tilespmem:s25+$0xD0] =	vst v0;
	v2 =	vld [tilespmem:s26+$0x20]  }
0x63: {  	[tilespmem:s25+$0xFFFFFFD0] =	vst v3;
	v0 =	vld [tilespmem:s29+$0xE0]  }
0x64: {  	v3 =	vld [tilespmem:s29+$0xFFFFFFE0];
	[tilespmem:s28+$0xFFFFFF10] =	vst v1  }
0x65: {  	v1 =	vld [tilespmem:s26+$0xFFFFFF20];
	[tilespmem:s25+$0xFFFFFF50] =	vst v4  }
0x66: {  	[tilespmem:s28+$0xA0] =	vst v5;
	v4 =	vld [tilespmem:s29+$0xFFFFFF60]  }
0x67: {  	v5 =	vld [tilespmem:s26+$0xB0];
	[tilespmem:s25+$0x50] =	vst v6  }
0x68: {  	v6 =	vld [tilespmem:s29+$0x60]  }
0x69: {  	v7 =	vld.idx.msk [tilespmem:v7+s3+$0x0], $0xffff  }
0x6a: {  	v2 =	vld.idx.msk [tilespmem:v2+s3+$0x0], $0xffff  }
0x6b: {  	v0 =	vld.idx.msk [tilespmem:v0+s3+$0x0], $0xffff  }
0x6c: {  	v3 =	vld.idx.msk [tilespmem:v3+s3+$0x0], $0xffff  }
0x6d: {  	v1 =	vld.idx.msk [tilespmem:v1+s3+$0x0], $0xffff  }
0x6e: {  	[tilespmem:s28+$0xFFFFFFA0] =	vst v7;
	v4 =	vld.idx.msk [tilespmem:v4+s3+$0x0], $0xffff  }
0x6f: {  	[tilespmem:s28+$0x20] =	vst v2;
	v7 =	vld [tilespmem:s26+$0xFFFFFFB0]  }
0x70: {  	[tilespmem:s25+$0xE0] =	vst v0;
	v2 =	vld [tilespmem:s26+$0x30]  }
0x71: {  	v0 =	vld [tilespmem:s29+$0xF0]  }
0x72: {  	v6 =	vld.idx.msk [tilespmem:v6+s3+$0x0], $0xffff;
	[tilespmem:s28+$0xFFFFFF20] =	vst v1  }
0x73: {  	[tilespmem:s25+$0xFFFFFFE0] =	vst v3;
	v1 =	vld [tilespmem:s26+$0xFFFFFF30]  }
0x74: {  	v3 =	vld.idx.msk [tilespmem:v5+s3+$0x0], $0xffff;
	[tilespmem:s25+$0xFFFFFF60] =	vst v4  }
0x75: {  	v4 =	vld [tilespmem:s29+$0xFFFFFF70]  }
0x76: {  	v9 =	vld [tilespmem:s29+$0xFFFFFFF0]  }
0x77: {  	v5 =	vld.idx.msk [tilespmem:v7+s3+$0x0], $0xffff  }
0x78: {  	v2 =	vld.idx.msk [tilespmem:v2+s3+$0x0], $0xffff  }
0x79: {  	[tilespmem:s25+$0x60] =	vst v6;
	v8 =	vld.idx.msk [tilespmem:v0+s3+$0x0], $0xffff  }
0x7a: {  	v0 =	vld [tilespmem:s29+$0x70]  }
0x7b: {  	[tilespmem:s28+$0xB0] =	vst v3;
	v6 =	vld.idx.msk [tilespmem:v1+s3+$0x0], $0xffff  }
0x7c: {  	[tilespmem:s28+$0xFFFFFFB0] =	vst v5;
	v5 =	vld [tilespmem:s26+$0xC0]  }
0x7d: {  	v1 =	vld.idx.msk [tilespmem:v4+s3+$0x0], $0xffff  }
0x7e: {  	[tilespmem:s28+$0x30] =	vst v2;
	v2 =	vld.idx.msk [tilespmem:v9+s3+$0x0], $0xffff  }
0x7f: {  	v3 =	vld [tilespmem:s26+$0xFFFFFFC0]  }
0x80: {  	s30 =	simm.s32 $0x4;
	s31 =	simm.s32 $0x580;
	s29 =	simm.s32 $0xCB80;
	v4 =	vld [tilespmem:s26+$0x40];
	[tilespmem:s25+$0xF0] =	vst v8  }
.LBB2_2:
0x81: {  	v7 =	vld [tilespmem:s31+$0x80];
	s30 =	sadd.s32 $0x4, s30;
	[tilespmem:s28+$0xFFFFFF30] =	vst v6  }
0x82: {  	v6 =	vld [tilespmem:s31+$0xFFFFFF80];
	p0 =	slt.u32 s30, $0xC4;
	[tilespmem:s25+$0xFFFFFF70] =	vst v1  }
0x83: {  	v1 =	vld [tilespmem:s31+$0x0]  }
0x84: {  	v8 =	vld [tilespmem:s31+$0xFFFFFF00]  }
0x85: {  	v5 =	vld.idx.msk [tilespmem:v5+s3+$0x0], $0xffff  }
0x86: {  	v9 =	vld [tilespmem:s26+$0xFFFFFF40];
	[tilespmem:s25+$0xFFFFFFF0] =	vst v2  }
0x87: {  	v2 =	vld.idx.msk [tilespmem:v3+s3+$0x0], $0xffff  }
0x88: {  	v3 =	vld.idx.msk [tilespmem:v4+s3+$0x0], $0xffff  }
0x89: {  	v4 =	vld.idx.msk [tilespmem:v7+s3+$0x0], $0xffff  }
0x8a: {  	v6 =	vld.idx.msk [tilespmem:v6+s3+$0x0], $0xffff  }
0x8b: {  	v1 =	vld.idx.msk [tilespmem:v1+s3+$0x0], $0xffff;
	[tilespmem:s28+$0xC0] =	vst v5  }
0x8c: {  	v5 =	vld [tilespmem:s26+$0xD0]  }
0x8d: {  	v7 =	vld.idx.msk [tilespmem:v8+s3+$0x0], $0xffff;
	[tilespmem:s28+$0xFFFFFFC0] =	vst v2  }
0x8e: {  	s28 =	sadd.s32 $0x200, s28;
	v2 =	vld.idx.msk [tilespmem:v9+s3+$0x0], $0xffff;
	[tilespmem:s29+$0x40] =	vst v3  }
0x8f: {  	[tilespmem:s28+$0x80] =	vst v4;
	v3 =	vld [tilespmem:s26+$0xFFFFFFD0]  }
0x90: {  	[tilespmem:s28+$0xFFFFFF80] =	vst v6;
	v4 =	vld [tilespmem:s31+$0x90]  }
0x91: {  	v6 =	vld [tilespmem:s31+$0xFFFFFF90];
	[tilespmem:s28+$0x0] =	vst v1  }
0x92: {  	v1 =	vld [tilespmem:s31+$0x10]  }
0x93: {  	[tilespmem:s28+$0xFFFFFF00] =	vst v7;
	v7 =	vld [tilespmem:s26+$0x50]  }
0x94: {  	[tilespmem:s29+$0xFFFFFF40] =	vst v2;
	v2 =	vld.idx.msk [tilespmem:v5+s3+$0x0], $0xffff  }
0x95: {  	v5 =	vld [tilespmem:s31+$0xFFFFFF10]  }
0x96: {  	v8 =	vld [tilespmem:s26+$0xFFFFFF50]  }
0x97: {  	v3 =	vld.idx.msk [tilespmem:v3+s3+$0x0], $0xffff  }
0x98: {  	v4 =	vld.idx.msk [tilespmem:v4+s3+$0x0], $0xffff  }
0x99: {  	v6 =	vld.idx.msk [tilespmem:v6+s3+$0x0], $0xffff  }
0x9a: {  	v1 =	vld.idx.msk [tilespmem:v1+s3+$0x0], $0xffff;
	[tilespmem:s29+$0xD0] =	vst v2  }
0x9b: {  	v2 =	vld [tilespmem:s26+$0xE0]  }
0x9c: {  	v7 =	vld.idx.msk [tilespmem:v7+s3+$0x0], $0xffff  }
0x9d: {  	v5 =	vld.idx.msk [tilespmem:v5+s3+$0x0], $0xffff;
	[tilespmem:s29+$0xFFFFFFD0] =	vst v3  }
0x9e: {  	[tilespmem:s28+$0x90] =	vst v4;
	v3 =	vld.idx.msk [tilespmem:v8+s3+$0x0], $0xffff  }
0x9f: {  	[tilespmem:s28+$0xFFFFFF90] =	vst v6;
	v4 =	vld [tilespmem:s31+$0xA0]  }
0xa0: {  	v6 =	vld [tilespmem:s31+$0xFFFFFFA0];
	[tilespmem:s28+$0x10] =	vst v1  }
0xa1: {  	v1 =	vld [tilespmem:s31+$0x20]  }
0xa2: {  	v8 =	vld [tilespmem:s26+$0xFFFFFFE0];
	[tilespmem:s29+$0x50] =	vst v7  }
0xa3: {  	[tilespmem:s28+$0xFFFFFF10] =	vst v5;
	v2 =	vld.idx.msk [tilespmem:v2+s3+$0x0], $0xffff  }
0xa4: {  	v5 =	vld [tilespmem:s31+$0xFFFFFF20];
	[tilespmem:s29+$0xFFFFFF50] =	vst v3  }
0xa5: {  	v3 =	vld [tilespmem:s26+$0xFFFFFF60]  }
0xa6: {  	v7 =	vld [tilespmem:s26+$0x60]  }
0xa7: {  	v4 =	vld.idx.msk [tilespmem:v4+s3+$0x0], $0xffff  }
0xa8: {  	v6 =	vld.idx.msk [tilespmem:v6+s3+$0x0], $0xffff  }
0xa9: {  	v1 =	vld.idx.msk [tilespmem:v1+s3+$0x0], $0xffff;
	[tilespmem:s29+$0xE0] =	vst v2  }
0xaa: {  	v2 =	vld [tilespmem:s26+$0xF0]  }
0xab: {  	v8 =	vld.idx.msk [tilespmem:v8+s3+$0x0], $0xffff  }
0xac: {  	v5 =	vld.idx.msk [tilespmem:v5+s3+$0x0], $0xffff  }
0xad: {  	[tilespmem:s28+$0xA0] =	vst v4;
	v3 =	vld.idx.msk [tilespmem:v3+s3+$0x0], $0xffff  }
0xae: {  	[tilespmem:s28+$0xFFFFFFA0] =	vst v6;
	v4 =	vld [tilespmem:s31+$0xB0]  }
0xaf: {  	v6 =	vld [tilespmem:s31+$0xFFFFFFB0];
	[tilespmem:s28+$0x20] =	vst v1  }
0xb0: {  	v1 =	vld [tilespmem:s31+$0x30]  }
0xb1: {  	[tilespmem:s29+$0xFFFFFFE0] =	vst v8;
	v7 =	vld.idx.msk [tilespmem:v7+s3+$0x0], $0xffff  }
0xb2: {  	[tilespmem:s28+$0xFFFFFF20] =	vst v5;
	v2 =	vld.idx.msk [tilespmem:v2+s3+$0x0], $0xffff  }
0xb3: {  	v5 =	vld [tilespmem:s31+$0xFFFFFF30];
	[tilespmem:s29+$0xFFFFFF60] =	vst v3  }
0xb4: {  	v3 =	vld [tilespmem:s26+$0xFFFFFF70]  }
0xb5: {  	v8 =	vld [tilespmem:s26+$0xFFFFFFF0]  }
0xb6: {  	v4 =	vld.idx.msk [tilespmem:v4+s3+$0x0], $0xffff  }
0xb7: {  	v9 =	vld.idx.msk [tilespmem:v6+s3+$0x0], $0xffff;
	[tilespmem:s29+$0x60] =	vst v7  }
0xb8: {  	v7 =	vld.idx.msk [tilespmem:v1+s3+$0x0], $0xffff;
	[tilespmem:s29+$0xF0] =	vst v2  }
0xb9: {  	v2 =	vld [tilespmem:s26+$0x70];
	s26 =	smov.u32 s31  }
0xba: {  	v10 =	vld.idx.msk [tilespmem:v0+s3+$0x0], $0xffff  }
0xbb: {  	v6 =	vld.idx.msk [tilespmem:v5+s3+$0x0], $0xffff  }
.Ltmp0:
0xbc: {  	[tilespmem:s28+$0xB0] =	vst v4;
	v1 =	vld.idx.msk [tilespmem:v3+s3+$0x0], $0xffff;
	(pc) =	sbr.rel @p0 .LBB2_2-.Ltmp0, $4  }
0xbd: {  	[tilespmem:s28+$0xFFFFFFB0] =	vst v9;
	v5 =	vld [tilespmem:s31+$0xC0]  }
0xbe: {  	v3 =	vld [tilespmem:s31+$0xFFFFFFC0];
	[tilespmem:s28+$0x30] =	vst v7;
	v0 =	vmov v2  }
0xbf: {  	v4 =	vld [tilespmem:s31+$0x40]  }
0xc0: {  	s31 =	sadd.s32 $0x200, s31;
	v2 =	vld.idx.msk [tilespmem:v8+s3+$0x0], $0xffff;
	[tilespmem:s25+$0x70] =	vst v10;
	s25 =	smov.u32 s29;
	s29 =	smov.u32 s28  }
0xc1: {  	[tilespmem:s28+$0xFFFFFF30] =	vst v6  }
0xc2: {  	v6 =	vld [tilespmem:s26+$0xFFFFFF40];
	_ =	sdelay $0x4  }
0xc3: {  	v5 =	vld.idx.msk [tilespmem:v5+s3+$0x0], $0xffff  }
0xc4: {  	v3 =	vld.idx.msk [tilespmem:v3+s3+$0x0], $0xffff  }
0xc5: {  	v4 =	vld.idx.msk [tilespmem:v4+s3+$0x0], $0xffff  }
0xc6: {  	v6 =	vld.idx.msk [tilespmem:v6+s3+$0x0], $0xffff;
	_ =	sdelay $0x1  }
0xc7: {  	[tilespmem:s28+$0xC0] =	vst v5  }
0xc8: {  	v5 =	vld [tilespmem:s26+$0xD0];
	[tilespmem:s28+$0xFFFFFFC0] =	vst v3  }
0xc9: {  	[tilespmem:s29+$0x40] =	vst v4;
	v4 =	vld [tilespmem:s26+$0xFFFFFFD0]  }
0xca: {  	[tilespmem:s29+$0xFFFFFF40] =	vst v6;
	v6 =	vld [tilespmem:s26+$0x50]  }
0xcb: {  	v3 =	vld [tilespmem:s26+$0xFFFFFF50];
	_ =	sdelay $0x4  }
0xcc: {  	v5 =	vld.idx.msk [tilespmem:v5+s3+$0x0], $0xffff  }
0xcd: {  	v4 =	vld.idx.msk [tilespmem:v4+s3+$0x0], $0xffff  }
0xce: {  	v6 =	vld.idx.msk [tilespmem:v6+s3+$0x0], $0xffff  }
0xcf: {  	v3 =	vld.idx.msk [tilespmem:v3+s3+$0x0], $0xffff;
	_ =	sdelay $0x1  }
0xd0: {  	[tilespmem:s29+$0xD0] =	vst v5  }
0xd1: {  	v5 =	vld [tilespmem:s26+$0xE0];
	[tilespmem:s29+$0xFFFFFFD0] =	vst v4  }
0xd2: {  	v4 =	vld [tilespmem:s26+$0xFFFFFFE0];
	[tilespmem:s29+$0x50] =	vst v6  }
0xd3: {  	[tilespmem:s29+$0xFFFFFF50] =	vst v3;
	v6 =	vld [tilespmem:s26+$0x60]  }
0xd4: {  	v3 =	vld [tilespmem:s26+$0xFFFFFF60];
	_ =	sdelay $0x4  }
0xd5: {  	v5 =	vld.idx.msk [tilespmem:v5+s3+$0x0], $0xffff  }
0xd6: {  	v4 =	vld.idx.msk [tilespmem:v4+s3+$0x0], $0xffff  }
0xd7: {  	v6 =	vld.idx.msk [tilespmem:v6+s3+$0x0], $0xffff  }
0xd8: {  	v3 =	vld.idx.msk [tilespmem:v3+s3+$0x0], $0xffff;
	_ =	sdelay $0x1  }
0xd9: {  	[tilespmem:s29+$0xE0] =	vst v5  }
0xda: {  	v5 =	vld [tilespmem:s26+$0xF0];
	[tilespmem:s29+$0xFFFFFFE0] =	vst v4  }
0xdb: {  	v4 =	vld [tilespmem:s26+$0xFFFFFFF0];
	[tilespmem:s29+$0x60] =	vst v6  }
0xdc: {  	[tilespmem:s29+$0xFFFFFF60] =	vst v3;
	v6 =	vld [tilespmem:s26+$0x70]  }
0xdd: {  	v3 =	vld [tilespmem:s26+$0xFFFFFF70];
	_ =	sdelay $0x3  }
0xde: {  	v0 =	vld.idx.msk [tilespmem:v0+s3+$0x0], $0xffff  }
0xdf: {  	v5 =	vld.idx.msk [tilespmem:v5+s3+$0x0], $0xffff  }
0xe0: {  	[tilespmem:s25+$0xFFFFFF70] =	vst v1;
	v1 =	vld.idx.msk [tilespmem:v4+s3+$0x0], $0xffff  }
0xe1: {  	[tilespmem:s25+$0xFFFFFFF0] =	vst v2;
	v2 =	vld.idx.msk [tilespmem:v6+s3+$0x0], $0xffff  }
0xe2: {  	v3 =	vld.idx.msk [tilespmem:v3+s3+$0x0], $0xffff  }
0xe3: {  	[tilespmem:s25+$0x70] =	vst v0  }
0xe4: {  	[tilespmem:s29+$0xF0] =	vst v5  }
0xe5: {  	[tilespmem:s29+$0xFFFFFFF0] =	vst v1  }
0xe6: {  	[tilespmem:s29+$0x70] =	vst v2  }
0xe7: {  	[tilespmem:s29+$0xFFFFFF70] =	vst v3  }
0xe8: {  	[hbm4b:s6+s13] =	stream.strided.scatter [tilespmem:s19], [sflag:$0x3], $0x6400, s14, s13, $0x38;
	[tilespmem:$0x19080] =	vst v63  }
0xe9: {  	_ = 	snop  }
0xea: {  	[tilespmem:s15], [sflag:$0x1] =	stream.strided.gather [hbm4b:s7+s13], $0x6400, s14, s13, $0x38;
	[tilespmem:$0x19080] =	vst v63  }
0xeb: {  	_ =	swait.ge [sflag:s20], $0x6400  }
0xec: {  	[sflag:s20] =	ssyncset.done $0x0  }
0xed: {  	s29 =	simm.s32 $0x6580;
	[sflag:s20] =	ssyncadd.s32 $0xFFFF9C00  }
0xee: {  	v0 =	vld [tilespmem:s29+$0x80]  }
0xef: {  	v1 =	vld [tilespmem:s29+$0xFFFFFF80]  }
0xf0: {  	v2 =	vld [tilespmem:s29+$0x0];
	_ =	sdelay $0x2  }
0xf1: {  	v3 =	vld [tilespmem:s29+$0xFFFFFF00];
	_ =	sdelay $0x2  }
0xf2: {  	v0 =	vld.idx.msk [tilespmem:v0+s3+$0x0], $0xffff  }
0xf3: {  	v1 =	vld.idx.msk [tilespmem:v1+s3+$0x0], $0xffff  }
0xf4: {  	v2 =	vld.idx.msk [tilespmem:v2+s3+$0x0], $0xffff;
	_ =	sdelay $0x1  }
0xf5: {  	s25 =	simm.s32 $0x12D80  }
0xf6: {  	v3 =	vld.idx.msk [tilespmem:v3+s3+$0x0], $0xffff;
	[tilespmem:s25+$0x80] =	vst v0  }
0xf7: {  	[tilespmem:s25+$0xFFFFFF80] =	vst v1;
	v0 =	vld [tilespmem:s29+$0x90]  }
0xf8: {  	[tilespmem:s25+$0x0] =	vst v2;
	v1 =	vld [tilespmem:s29+$0xFFFFFF90]  }
0xf9: {  	v2 =	vld [tilespmem:s29+$0x10];
	_ =	sdelay $0x1  }
0xfa: {  	[tilespmem:s25+$0xFFFFFF00] =	vst v3  }
0xfb: {  	v3 =	vld [tilespmem:s29+$0xFFFFFF10];
	_ =	sdelay $0x2  }
0xfc: {  	v0 =	vld.idx.msk [tilespmem:v0+s3+$0x0], $0xffff  }
0xfd: {  	v1 =	vld.idx.msk [tilespmem:v1+s3+$0x0], $0xffff  }
0xfe: {  	v2 =	vld.idx.msk [tilespmem:v2+s3+$0x0], $0xffff;
	_ =	sdelay $0x2  }
0xff: {  	v3 =	vld.idx.msk [tilespmem:v3+s3+$0x0], $0xffff;
	[tilespmem:s25+$0x90] =	vst v0  }
0x100: {  	[tilespmem:s25+$0xFFFFFF90] =	vst v1;
	v0 =	vld [tilespmem:s29+$0xA0]  }
0x101: {  	[tilespmem:s25+$0x10] =	vst v2;
	v1 =	vld [tilespmem:s29+$0xFFFFFFA0]  }
0x102: {  	v2 =	vld [tilespmem:s29+$0x20];
	_ =	sdelay $0x1  }
0x103: {  	[tilespmem:s25+$0xFFFFFF10] =	vst v3  }
0x104: {  	v3 =	vld [tilespmem:s29+$0xFFFFFF20]  }
0x105: {  	s26 =	simm.s32 $0x6780  }
0x106: {  	v4 =	vld [tilespmem:s26+$0x80]  }
0x107: {  	v0 =	vld.idx.msk [tilespmem:v0+s3+$0x0], $0xffff  }
0x108: {  	v1 =	vld.idx.msk [tilespmem:v1+s3+$0x0], $0xffff  }
0x109: {  	v2 =	vld.idx.msk [tilespmem:v2+s3+$0x0], $0xffff;
	_ =	sdelay $0x1  }
0x10a: {  	v5 =	vld [tilespmem:s26+$0xFFFFFF80]  }
0x10b: {  	v3 =	vld.idx.msk [tilespmem:v3+s3+$0x0], $0xffff;
	[tilespmem:s25+$0xA0] =	vst v0  }
0x10c: {  	[tilespmem:s25+$0xFFFFFFA0] =	vst v1;
	v0 =	vld [tilespmem:s29+$0xB0]  }
0x10d: {  	[tilespmem:s25+$0x20] =	vst v2;
	v1 =	vld [tilespmem:s29+$0xFFFFFFB0]  }
0x10e: {  	v2 =	vld [tilespmem:s29+$0x30];
	_ =	sdelay $0x1  }
0x10f: {  	v4 =	vld.idx.msk [tilespmem:v4+s3+$0x0], $0xffff;
	[tilespmem:s25+$0xFFFFFF20] =	vst v3  }
0x110: {  	v3 =	vld [tilespmem:s29+$0xFFFFFF30]  }
0x111: {  	v5 =	vld.idx.msk [tilespmem:v5+s3+$0x0], $0xffff  }
0x112: {  	v6 =	vld [tilespmem:s26+$0x0]  }
0x113: {  	v0 =	vld.idx.msk [tilespmem:v0+s3+$0x0], $0xffff  }
0x114: {  	s28 =	simm.s32 $0x12F80;
	v1 =	vld.idx.msk [tilespmem:v1+s3+$0x0], $0xffff  }
0x115: {  	[tilespmem:s28+$0x80] =	vst v4;
	v2 =	vld.idx.msk [tilespmem:v2+s3+$0x0], $0xffff  }
0x116: {  	[tilespmem:s28+$0xFFFFFF80] =	vst v5;
	v4 =	vld [tilespmem:s26+$0x90]  }
0x117: {  	v5 =	vld [tilespmem:s26+$0xFFFFFF90]  }
0x118: {  	v3 =	vld.idx.msk [tilespmem:v3+s3+$0x0], $0xffff;
	[tilespmem:s25+$0xB0] =	vst v0  }
0x119: {  	[tilespmem:s25+$0xFFFFFFB0] =	vst v1;
	v0 =	vld [tilespmem:s29+$0xC0]  }
0x11a: {  	[tilespmem:s25+$0x30] =	vst v2;
	v1 =	vld [tilespmem:s29+$0xFFFFFFC0]  }
0x11b: {  	v2 =	vld [tilespmem:s29+$0x40]  }
0x11c: {  	v7 =	vld [tilespmem:s26+$0xFFFFFF00]  }
0x11d: {  	v6 =	vld.idx.msk [tilespmem:v6+s3+$0x0], $0xffff  }
0x11e: {  	v4 =	vld.idx.msk [tilespmem:v4+s3+$0x0], $0xffff;
	[tilespmem:s25+$0xFFFFFF30] =	vst v3  }
0x11f: {  	v3 =	vld [tilespmem:s29+$0xFFFFFF40]  }
0x120: {  	v5 =	vld.idx.msk [tilespmem:v5+s3+$0x0], $0xffff  }
0x121: {  	v0 =	vld.idx.msk [tilespmem:v0+s3+$0x0], $0xffff  }
0x122: {  	v1 =	vld.idx.msk [tilespmem:v1+s3+$0x0], $0xffff  }
0x123: {  	[tilespmem:s28+$0x0] =	vst v6;
	v2 =	vld.idx.msk [tilespmem:v2+s3+$0x0], $0xffff  }
0x124: {  	[tilespmem:s28+$0x90] =	vst v4  }
0x125: {  	v7 =	vld.idx.msk [tilespmem:v7+s3+$0x0], $0xffff;
	[tilespmem:s28+$0xFFFFFF90] =	vst v5  }
0x126: {  	v5 =	vld [tilespmem:s26+$0xA0];
	[tilespmem:s25+$0xC0] =	vst v0  }
0x127: {  	[tilespmem:s25+$0xFFFFFFC0] =	vst v1;
	v1 =	vld.idx.msk [tilespmem:v3+s3+$0x0], $0xffff  }
0x128: {  	[tilespmem:s25+$0x40] =	vst v2;
	v2 =	vld [tilespmem:s26+$0x10]  }
0x129: {  	v0 =	vld [tilespmem:s29+$0xD0]  }
0x12a: {  	v3 =	vld [tilespmem:s29+$0xFFFFFFD0]  }
0x12b: {  	[tilespmem:s28+$0xFFFFFF00] =	vst v7;
	v6 =	vld [tilespmem:s29+$0x50]  }
0x12c: {  	[tilespmem:s25+$0xFFFFFF40] =	vst v1;
	v1 =	vld [tilespmem:s26+$0xFFFFFF10]  }
0x12d: {  	v7 =	vld [tilespmem:s29+$0xFFFFFF50];
	_ =	sdelay $0x1  }
0x12e: {  	v5 =	vld.idx.msk [tilespmem:v5+s3+$0x0], $0xffff  }
0x12f: {  	v2 =	vld.idx.msk [tilespmem:v2+s3+$0x0], $0xffff  }
0x130: {  	v0 =	vld.idx.msk [tilespmem:v0+s3+$0x0], $0xffff  }
0x131: {  	v3 =	vld.idx.msk [tilespmem:v3+s3+$0x0], $0xffff  }
0x132: {  	v6 =	vld.idx.msk [tilespmem:v6+s3+$0x0], $0xffff  }
0x133: {  	v1 =	vld.idx.msk [tilespmem:v1+s3+$0x0], $0xffff  }
0x134: {  	v4 =	vld.idx.msk [tilespmem:v7+s3+$0x0], $0xffff  }
0x135: {  	[tilespmem:s28+$0x10] =	vst v2;
	v7 =	vld [tilespmem:s26+$0xFFFFFFA0]  }
0x136: {  	[tilespmem:s25+$0xD0] =	vst v0;
	v2 =	vld [tilespmem:s26+$0x20]  }
0x137: {  	[tilespmem:s25+$0xFFFFFFD0] =	vst v3;
	v0 =	vld [tilespmem:s29+$0xE0]  }
0x138: {  	v3 =	vld [tilespmem:s29+$0xFFFFFFE0];
	[tilespmem:s28+$0xFFFFFF10] =	vst v1  }
0x139: {  	v1 =	vld [tilespmem:s26+$0xFFFFFF20];
	[tilespmem:s25+$0xFFFFFF50] =	vst v4  }
0x13a: {  	[tilespmem:s28+$0xA0] =	vst v5;
	v4 =	vld [tilespmem:s29+$0xFFFFFF60]  }
0x13b: {  	v5 =	vld [tilespmem:s26+$0xB0];
	[tilespmem:s25+$0x50] =	vst v6  }
0x13c: {  	v6 =	vld [tilespmem:s29+$0x60]  }
0x13d: {  	v7 =	vld.idx.msk [tilespmem:v7+s3+$0x0], $0xffff  }
0x13e: {  	v2 =	vld.idx.msk [tilespmem:v2+s3+$0x0], $0xffff  }
0x13f: {  	v0 =	vld.idx.msk [tilespmem:v0+s3+$0x0], $0xffff  }
0x140: {  	v3 =	vld.idx.msk [tilespmem:v3+s3+$0x0], $0xffff  }
0x141: {  	v1 =	vld.idx.msk [tilespmem:v1+s3+$0x0], $0xffff  }
0x142: {  	[tilespmem:s28+$0xFFFFFFA0] =	vst v7;
	v4 =	vld.idx.msk [tilespmem:v4+s3+$0x0], $0xffff  }
0x143: {  	[tilespmem:s28+$0x20] =	vst v2;
	v7 =	vld [tilespmem:s26+$0xFFFFFFB0]  }
0x144: {  	[tilespmem:s25+$0xE0] =	vst v0;
	v2 =	vld [tilespmem:s26+$0x30]  }
0x145: {  	v0 =	vld [tilespmem:s29+$0xF0]  }
0x146: {  	v6 =	vld.idx.msk [tilespmem:v6+s3+$0x0], $0xffff;
	[tilespmem:s28+$0xFFFFFF20] =	vst v1  }
0x147: {  	[tilespmem:s25+$0xFFFFFFE0] =	vst v3;
	v1 =	vld [tilespmem:s26+$0xFFFFFF30]  }
0x148: {  	v3 =	vld.idx.msk [tilespmem:v5+s3+$0x0], $0xffff;
	[tilespmem:s25+$0xFFFFFF60] =	vst v4  }
0x149: {  	v4 =	vld [tilespmem:s29+$0xFFFFFF70]  }
0x14a: {  	v9 =	vld [tilespmem:s29+$0xFFFFFFF0]  }
0x14b: {  	v5 =	vld.idx.msk [tilespmem:v7+s3+$0x0], $0xffff  }
0x14c: {  	v2 =	vld.idx.msk [tilespmem:v2+s3+$0x0], $0xffff  }
0x14d: {  	[tilespmem:s25+$0x60] =	vst v6;
	v8 =	vld.idx.msk [tilespmem:v0+s3+$0x0], $0xffff  }
0x14e: {  	v0 =	vld [tilespmem:s29+$0x70]  }
0x14f: {  	[tilespmem:s28+$0xB0] =	vst v3;
	v6 =	vld.idx.msk [tilespmem:v1+s3+$0x0], $0xffff  }
0x150: {  	[tilespmem:s28+$0xFFFFFFB0] =	vst v5;
	v5 =	vld [tilespmem:s26+$0xC0]  }
0x151: {  	v1 =	vld.idx.msk [tilespmem:v4+s3+$0x0], $0xffff  }
0x152: {  	[tilespmem:s28+$0x30] =	vst v2;
	v2 =	vld.idx.msk [tilespmem:v9+s3+$0x0], $0xffff  }
0x153: {  	v3 =	vld [tilespmem:s26+$0xFFFFFFC0]  }
0x154: {  	s30 =	simm.s32 $0x4;
	s31 =	simm.s32 $0x6980;
	s29 =	simm.s32 $0x12F80;
	v4 =	vld [tilespmem:s26+$0x40];
	[tilespmem:s25+$0xF0] =	vst v8  }
.LBB2_4:
0x155: {  	v7 =	vld [tilespmem:s31+$0x80];
	s30 =	sadd.s32 $0x4, s30;
	[tilespmem:s28+$0xFFFFFF30] =	vst v6  }
0x156: {  	v6 =	vld [tilespmem:s31+$0xFFFFFF80];
	p0 =	slt.u32 s30, $0xC4;
	[tilespmem:s25+$0xFFFFFF70] =	vst v1  }
0x157: {  	v1 =	vld [tilespmem:s31+$0x0]  }
0x158: {  	v8 =	vld [tilespmem:s31+$0xFFFFFF00]  }
0x159: {  	v5 =	vld.idx.msk [tilespmem:v5+s3+$0x0], $0xffff  }
0x15a: {  	v9 =	vld [tilespmem:s26+$0xFFFFFF40];
	[tilespmem:s25+$0xFFFFFFF0] =	vst v2  }
0x15b: {  	v2 =	vld.idx.msk [tilespmem:v3+s3+$0x0], $0xffff  }
0x15c: {  	v3 =	vld.idx.msk [tilespmem:v4+s3+$0x0], $0xffff  }
0x15d: {  	v4 =	vld.idx.msk [tilespmem:v7+s3+$0x0], $0xffff  }
0x15e: {  	v6 =	vld.idx.msk [tilespmem:v6+s3+$0x0], $0xffff  }
0x15f: {  	v1 =	vld.idx.msk [tilespmem:v1+s3+$0x0], $0xffff;
	[tilespmem:s28+$0xC0] =	vst v5  }
0x160: {  	v5 =	vld [tilespmem:s26+$0xD0]  }
0x161: {  	v7 =	vld.idx.msk [tilespmem:v8+s3+$0x0], $0xffff;
	[tilespmem:s28+$0xFFFFFFC0] =	vst v2  }
0x162: {  	s28 =	sadd.s32 $0x200, s28;
	v2 =	vld.idx.msk [tilespmem:v9+s3+$0x0], $0xffff;
	[tilespmem:s29+$0x40] =	vst v3  }
0x163: {  	[tilespmem:s28+$0x80] =	vst v4;
	v3 =	vld [tilespmem:s26+$0xFFFFFFD0]  }
0x164: {  	[tilespmem:s28+$0xFFFFFF80] =	vst v6;
	v4 =	vld [tilespmem:s31+$0x90]  }
0x165: {  	v6 =	vld [tilespmem:s31+$0xFFFFFF90];
	[tilespmem:s28+$0x0] =	vst v1  }
0x166: {  	v1 =	vld [tilespmem:s31+$0x10]  }
0x167: {  	[tilespmem:s28+$0xFFFFFF00] =	vst v7;
	v7 =	vld [tilespmem:s26+$0x50]  }
0x168: {  	[tilespmem:s29+$0xFFFFFF40] =	vst v2;
	v2 =	vld.idx.msk [tilespmem:v5+s3+$0x0], $0xffff  }
0x169: {  	v5 =	vld [tilespmem:s31+$0xFFFFFF10]  }
0x16a: {  	v8 =	vld [tilespmem:s26+$0xFFFFFF50]  }
0x16b: {  	v3 =	vld.idx.msk [tilespmem:v3+s3+$0x0], $0xffff  }
0x16c: {  	v4 =	vld.idx.msk [tilespmem:v4+s3+$0x0], $0xffff  }
0x16d: {  	v6 =	vld.idx.msk [tilespmem:v6+s3+$0x0], $0xffff  }
0x16e: {  	v1 =	vld.idx.msk [tilespmem:v1+s3+$0x0], $0xffff;
	[tilespmem:s29+$0xD0] =	vst v2  }
0x16f: {  	v2 =	vld [tilespmem:s26+$0xE0]  }
0x170: {  	v7 =	vld.idx.msk [tilespmem:v7+s3+$0x0], $0xffff  }
0x171: {  	v5 =	vld.idx.msk [tilespmem:v5+s3+$0x0], $0xffff;
	[tilespmem:s29+$0xFFFFFFD0] =	vst v3  }
0x172: {  	[tilespmem:s28+$0x90] =	vst v4;
	v3 =	vld.idx.msk [tilespmem:v8+s3+$0x0], $0xffff  }
0x173: {  	[tilespmem:s28+$0xFFFFFF90] =	vst v6;
	v4 =	vld [tilespmem:s31+$0xA0]  }
0x174: {  	v6 =	vld [tilespmem:s31+$0xFFFFFFA0];
	[tilespmem:s28+$0x10] =	vst v1  }
0x175: {  	v1 =	vld [tilespmem:s31+$0x20]  }
0x176: {  	v8 =	vld [tilespmem:s26+$0xFFFFFFE0];
	[tilespmem:s29+$0x50] =	vst v7  }
0x177: {  	[tilespmem:s28+$0xFFFFFF10] =	vst v5;
	v2 =	vld.idx.msk [tilespmem:v2+s3+$0x0], $0xffff  }
0x178: {  	v5 =	vld [tilespmem:s31+$0xFFFFFF20];
	[tilespmem:s29+$0xFFFFFF50] =	vst v3  }
0x179: {  	v3 =	vld [tilespmem:s26+$0xFFFFFF60]  }
0x17a: {  	v7 =	vld [tilespmem:s26+$0x60]  }
0x17b: {  	v4 =	vld.idx.msk [tilespmem:v4+s3+$0x0], $0xffff  }
0x17c: {  	v6 =	vld.idx.msk [tilespmem:v6+s3+$0x0], $0xffff  }
0x17d: {  	v1 =	vld.idx.msk [tilespmem:v1+s3+$0x0], $0xffff;
	[tilespmem:s29+$0xE0] =	vst v2  }
0x17e: {  	v2 =	vld [tilespmem:s26+$0xF0]  }
0x17f: {  	v8 =	vld.idx.msk [tilespmem:v8+s3+$0x0], $0xffff  }
0x180: {  	v5 =	vld.idx.msk [tilespmem:v5+s3+$0x0], $0xffff  }
0x181: {  	[tilespmem:s28+$0xA0] =	vst v4;
	v3 =	vld.idx.msk [tilespmem:v3+s3+$0x0], $0xffff  }
0x182: {  	[tilespmem:s28+$0xFFFFFFA0] =	vst v6;
	v4 =	vld [tilespmem:s31+$0xB0]  }
0x183: {  	v6 =	vld [tilespmem:s31+$0xFFFFFFB0];
	[tilespmem:s28+$0x20] =	vst v1  }
0x184: {  	v1 =	vld [tilespmem:s31+$0x30]  }
0x185: {  	[tilespmem:s29+$0xFFFFFFE0] =	vst v8;
	v7 =	vld.idx.msk [tilespmem:v7+s3+$0x0], $0xffff  }
0x186: {  	[tilespmem:s28+$0xFFFFFF20] =	vst v5;
	v2 =	vld.idx.msk [tilespmem:v2+s3+$0x0], $0xffff  }
0x187: {  	v5 =	vld [tilespmem:s31+$0xFFFFFF30];
	[tilespmem:s29+$0xFFFFFF60] =	vst v3  }
0x188: {  	v3 =	vld [tilespmem:s26+$0xFFFFFF70]  }
0x189: {  	v8 =	vld [tilespmem:s26+$0xFFFFFFF0]  }
0x18a: {  	v4 =	vld.idx.msk [tilespmem:v4+s3+$0x0], $0xffff  }
0x18b: {  	v9 =	vld.idx.msk [tilespmem:v6+s3+$0x0], $0xffff;
	[tilespmem:s29+$0x60] =	vst v7  }
0x18c: {  	v7 =	vld.idx.msk [tilespmem:v1+s3+$0x0], $0xffff;
	[tilespmem:s29+$0xF0] =	vst v2  }
0x18d: {  	v2 =	vld [tilespmem:s26+$0x70];
	s26 =	smov.u32 s31  }
0x18e: {  	v10 =	vld.idx.msk [tilespmem:v0+s3+$0x0], $0xffff  }
0x18f: {  	v6 =	vld.idx.msk [tilespmem:v5+s3+$0x0], $0xffff  }
.Ltmp1:
0x190: {  	[tilespmem:s28+$0xB0] =	vst v4;
	v1 =	vld.idx.msk [tilespmem:v3+s3+$0x0], $0xffff;
	(pc) =	sbr.rel @p0 .LBB2_4-.Ltmp1, $4  }
0x191: {  	[tilespmem:s28+$0xFFFFFFB0] =	vst v9;
	v5 =	vld [tilespmem:s31+$0xC0]  }
0x192: {  	v3 =	vld [tilespmem:s31+$0xFFFFFFC0];
	[tilespmem:s28+$0x30] =	vst v7;
	v0 =	vmov v2  }
0x193: {  	v4 =	vld [tilespmem:s31+$0x40]  }
0x194: {  	s31 =	sadd.s32 $0x200, s31;
	v2 =	vld.idx.msk [tilespmem:v8+s3+$0x0], $0xffff;
	[tilespmem:s25+$0x70] =	vst v10;
	s25 =	smov.u32 s29;
	s29 =	smov.u32 s28  }
0x195: {  	[tilespmem:s28+$0xFFFFFF30] =	vst v6  }
0x196: {  	v6 =	vld [tilespmem:s26+$0xFFFFFF40];
	_ =	sdelay $0x4  }
0x197: {  	v5 =	vld.idx.msk [tilespmem:v5+s3+$0x0], $0xffff  }
0x198: {  	v3 =	vld.idx.msk [tilespmem:v3+s3+$0x0], $0xffff  }
0x199: {  	v4 =	vld.idx.msk [tilespmem:v4+s3+$0x0], $0xffff  }
0x19a: {  	v6 =	vld.idx.msk [tilespmem:v6+s3+$0x0], $0xffff;
	_ =	sdelay $0x1  }
0x19b: {  	[tilespmem:s28+$0xC0] =	vst v5  }
0x19c: {  	v5 =	vld [tilespmem:s26+$0xD0];
	[tilespmem:s28+$0xFFFFFFC0] =	vst v3  }
0x19d: {  	[tilespmem:s29+$0x40] =	vst v4;
	v4 =	vld [tilespmem:s26+$0xFFFFFFD0]  }
0x19e: {  	[tilespmem:s29+$0xFFFFFF40] =	vst v6;
	v6 =	vld [tilespmem:s26+$0x50]  }
0x19f: {  	v3 =	vld [tilespmem:s26+$0xFFFFFF50];
	_ =	sdelay $0x4  }
0x1a0: {  	v5 =	vld.idx.msk [tilespmem:v5+s3+$0x0], $0xffff  }
0x1a1: {  	v4 =	vld.idx.msk [tilespmem:v4+s3+$0x0], $0xffff  }
0x1a2: {  	v6 =	vld.idx.msk [tilespmem:v6+s3+$0x0], $0xffff  }
0x1a3: {  	v3 =	vld.idx.msk [tilespmem:v3+s3+$0x0], $0xffff;
	_ =	sdelay $0x1  }
0x1a4: {  	[tilespmem:s29+$0xD0] =	vst v5  }
0x1a5: {  	v5 =	vld [tilespmem:s26+$0xE0];
	[tilespmem:s29+$0xFFFFFFD0] =	vst v4  }
0x1a6: {  	v4 =	vld [tilespmem:s26+$0xFFFFFFE0];
	[tilespmem:s29+$0x50] =	vst v6  }
0x1a7: {  	[tilespmem:s29+$0xFFFFFF50] =	vst v3;
	v6 =	vld [tilespmem:s26+$0x60]  }
0x1a8: {  	v3 =	vld [tilespmem:s26+$0xFFFFFF60];
	_ =	sdelay $0x4  }
0x1a9: {  	v5 =	vld.idx.msk [tilespmem:v5+s3+$0x0], $0xffff  }
0x1aa: {  	v4 =	vld.idx.msk [tilespmem:v4+s3+$0x0], $0xffff  }
0x1ab: {  	v6 =	vld.idx.msk [tilespmem:v6+s3+$0x0], $0xffff  }
0x1ac: {  	v3 =	vld.idx.msk [tilespmem:v3+s3+$0x0], $0xffff;
	_ =	sdelay $0x1  }
0x1ad: {  	[tilespmem:s29+$0xE0] =	vst v5  }
0x1ae: {  	v5 =	vld [tilespmem:s26+$0xF0];
	[tilespmem:s29+$0xFFFFFFE0] =	vst v4  }
0x1af: {  	v4 =	vld [tilespmem:s26+$0xFFFFFFF0];
	[tilespmem:s29+$0x60] =	vst v6  }
0x1b0: {  	[tilespmem:s29+$0xFFFFFF60] =	vst v3;
	v6 =	vld [tilespmem:s26+$0x70]  }
0x1b1: {  	v3 =	vld [tilespmem:s26+$0xFFFFFF70];
	_ =	sdelay $0x3  }
0x1b2: {  	v0 =	vld.idx.msk [tilespmem:v0+s3+$0x0], $0xffff  }
0x1b3: {  	v5 =	vld.idx.msk [tilespmem:v5+s3+$0x0], $0xffff  }
0x1b4: {  	[tilespmem:s25+$0xFFFFFF70] =	vst v1;
	v1 =	vld.idx.msk [tilespmem:v4+s3+$0x0], $0xffff  }
0x1b5: {  	[tilespmem:s25+$0xFFFFFFF0] =	vst v2;
	v2 =	vld.idx.msk [tilespmem:v6+s3+$0x0], $0xffff  }
0x1b6: {  	v3 =	vld.idx.msk [tilespmem:v3+s3+$0x0], $0xffff  }
0x1b7: {  	[tilespmem:s25+$0x70] =	vst v0  }
0x1b8: {  	[tilespmem:s29+$0xF0] =	vst v5  }
0x1b9: {  	[tilespmem:s29+$0xFFFFFFF0] =	vst v1  }
0x1ba: {  	[tilespmem:s29+$0x70] =	vst v2  }
0x1bb: {  	[tilespmem:s29+$0xFFFFFF70] =	vst v3  }
0x1bc: {  	[hbm4b:s8+s13] =	stream.strided.scatter [tilespmem:s21], [sflag:$0x4], $0x6400, s14, s13, $0x38;
	[tilespmem:$0x19080] =	vst v63  }
0x1bd: {  	_ = 	snop  }
0x1be: {  	[tilespmem:s17], [sflag:$0x2] =	stream.strided.gather [hbm4b:s9+s13], $0x6400, s14, s13, $0x38;
	[tilespmem:$0x19080] =	vst v63  }
0x1bf: {  	_ =	swait.ge [sflag:s18], $0x6400  }
0x1c0: {  	[sflag:s18] =	ssyncset.done $0x0  }
0x1c1: {  	[sflag:s18] =	ssyncadd.s32 $0xFFFF9C00  }
0x1c2: {  	_ =	swait.ge [sflag:s22], $0x6400  }
0x1c3: {  	[sflag:s22] =	ssyncset.done $0x0  }
0x1c4: {  	s29 =	simm.s32 $0x180;
	[sflag:s22] =	ssyncadd.s32 $0xFFFF9C00  }
0x1c5: {  	v0 =	vld [tilespmem:s29+$0x80]  }
0x1c6: {  	v1 =	vld [tilespmem:s29+$0xFFFFFF80]  }
0x1c7: {  	v2 =	vld [tilespmem:s29+$0x0];
	_ =	sdelay $0x2  }
0x1c8: {  	v3 =	vld [tilespmem:s29+$0xFFFFFF00];
	_ =	sdelay $0x2  }
0x1c9: {  	v0 =	vld.idx.msk [tilespmem:v0+s3+$0x0], $0xffff  }
0x1ca: {  	v1 =	vld.idx.msk [tilespmem:v1+s3+$0x0], $0xffff  }
0x1cb: {  	v2 =	vld.idx.msk [tilespmem:v2+s3+$0x0], $0xffff;
	_ =	sdelay $0x1  }
0x1cc: {  	s25 =	simm.s32 $0xC980  }
0x1cd: {  	v3 =	vld.idx.msk [tilespmem:v3+s3+$0x0], $0xffff;
	[tilespmem:s25+$0x80] =	vst v0  }
0x1ce: {  	[tilespmem:s25+$0xFFFFFF80] =	vst v1;
	v0 =	vld [tilespmem:s29+$0x90]  }
0x1cf: {  	[tilespmem:s25+$0x0] =	vst v2;
	v1 =	vld [tilespmem:s29+$0xFFFFFF90]  }
0x1d0: {  	v2 =	vld [tilespmem:s29+$0x10];
	_ =	sdelay $0x1  }
0x1d1: {  	[tilespmem:s25+$0xFFFFFF00] =	vst v3  }
0x1d2: {  	v3 =	vld [tilespmem:s29+$0xFFFFFF10];
	_ =	sdelay $0x2  }
0x1d3: {  	v0 =	vld.idx.msk [tilespmem:v0+s3+$0x0], $0xffff  }
0x1d4: {  	v1 =	vld.idx.msk [tilespmem:v1+s3+$0x0], $0xffff  }
0x1d5: {  	v2 =	vld.idx.msk [tilespmem:v2+s3+$0x0], $0xffff;
	_ =	sdelay $0x2  }
0x1d6: {  	v3 =	vld.idx.msk [tilespmem:v3+s3+$0x0], $0xffff;
	[tilespmem:s25+$0x90] =	vst v0  }
0x1d7: {  	[tilespmem:s25+$0xFFFFFF90] =	vst v1;
	v0 =	vld [tilespmem:s29+$0xA0]  }
0x1d8: {  	[tilespmem:s25+$0x10] =	vst v2;
	v1 =	vld [tilespmem:s29+$0xFFFFFFA0]  }
0x1d9: {  	v2 =	vld [tilespmem:s29+$0x20];
	_ =	sdelay $0x1  }
0x1da: {  	[tilespmem:s25+$0xFFFFFF10] =	vst v3  }
0x1db: {  	v3 =	vld [tilespmem:s29+$0xFFFFFF20]  }
0x1dc: {  	s26 =	simm.s32 $0x380  }
0x1dd: {  	v4 =	vld [tilespmem:s26+$0x80]  }
0x1de: {  	v0 =	vld.idx.msk [tilespmem:v0+s3+$0x0], $0xffff  }
0x1df: {  	v1 =	vld.idx.msk [tilespmem:v1+s3+$0x0], $0xffff  }
0x1e0: {  	v2 =	vld.idx.msk [tilespmem:v2+s3+$0x0], $0xffff;
	_ =	sdelay $0x1  }
0x1e1: {  	v5 =	vld [tilespmem:s26+$0xFFFFFF80]  }
0x1e2: {  	v3 =	vld.idx.msk [tilespmem:v3+s3+$0x0], $0xffff;
	[tilespmem:s25+$0xA0] =	vst v0  }
0x1e3: {  	[tilespmem:s25+$0xFFFFFFA0] =	vst v1;
	v0 =	vld [tilespmem:s29+$0xB0]  }
0x1e4: {  	[tilespmem:s25+$0x20] =	vst v2;
	v1 =	vld [tilespmem:s29+$0xFFFFFFB0]  }
0x1e5: {  	v2 =	vld [tilespmem:s29+$0x30];
	_ =	sdelay $0x1  }
0x1e6: {  	v4 =	vld.idx.msk [tilespmem:v4+s3+$0x0], $0xffff;
	[tilespmem:s25+$0xFFFFFF20] =	vst v3  }
0x1e7: {  	v3 =	vld [tilespmem:s29+$0xFFFFFF30]  }
0x1e8: {  	v5 =	vld.idx.msk [tilespmem:v5+s3+$0x0], $0xffff  }
0x1e9: {  	v6 =	vld [tilespmem:s26+$0x0]  }
0x1ea: {  	v0 =	vld.idx.msk [tilespmem:v0+s3+$0x0], $0xffff  }
0x1eb: {  	s28 =	simm.s32 $0xCB80;
	v1 =	vld.idx.msk [tilespmem:v1+s3+$0x0], $0xffff  }
0x1ec: {  	[tilespmem:s28+$0x80] =	vst v4;
	v2 =	vld.idx.msk [tilespmem:v2+s3+$0x0], $0xffff  }
0x1ed: {  	[tilespmem:s28+$0xFFFFFF80] =	vst v5;
	v4 =	vld [tilespmem:s26+$0x90]  }
0x1ee: {  	v5 =	vld [tilespmem:s26+$0xFFFFFF90]  }
0x1ef: {  	v3 =	vld.idx.msk [tilespmem:v3+s3+$0x0], $0xffff;
	[tilespmem:s25+$0xB0] =	vst v0  }
0x1f0: {  	[tilespmem:s25+$0xFFFFFFB0] =	vst v1;
	v0 =	vld [tilespmem:s29+$0xC0]  }
0x1f1: {  	[tilespmem:s25+$0x30] =	vst v2;
	v1 =	vld [tilespmem:s29+$0xFFFFFFC0]  }
0x1f2: {  	v2 =	vld [tilespmem:s29+$0x40]  }
0x1f3: {  	v7 =	vld [tilespmem:s26+$0xFFFFFF00]  }
0x1f4: {  	v6 =	vld.idx.msk [tilespmem:v6+s3+$0x0], $0xffff  }
0x1f5: {  	v4 =	vld.idx.msk [tilespmem:v4+s3+$0x0], $0xffff;
	[tilespmem:s25+$0xFFFFFF30] =	vst v3  }
0x1f6: {  	v3 =	vld [tilespmem:s29+$0xFFFFFF40]  }
0x1f7: {  	v5 =	vld.idx.msk [tilespmem:v5+s3+$0x0], $0xffff  }
0x1f8: {  	v0 =	vld.idx.msk [tilespmem:v0+s3+$0x0], $0xffff  }
0x1f9: {  	v1 =	vld.idx.msk [tilespmem:v1+s3+$0x0], $0xffff  }
0x1fa: {  	[tilespmem:s28+$0x0] =	vst v6;
	v2 =	vld.idx.msk [tilespmem:v2+s3+$0x0], $0xffff  }
0x1fb: {  	[tilespmem:s28+$0x90] =	vst v4  }
0x1fc: {  	v7 =	vld.idx.msk [tilespmem:v7+s3+$0x0], $0xffff;
	[tilespmem:s28+$0xFFFFFF90] =	vst v5  }
0x1fd: {  	v5 =	vld [tilespmem:s26+$0xA0];
	[tilespmem:s25+$0xC0] =	vst v0  }
0x1fe: {  	[tilespmem:s25+$0xFFFFFFC0] =	vst v1;
	v1 =	vld.idx.msk [tilespmem:v3+s3+$0x0], $0xffff  }
0x1ff: {  	[tilespmem:s25+$0x40] =	vst v2;
	v2 =	vld [tilespmem:s26+$0x10]  }
0x200: {  	v0 =	vld [tilespmem:s29+$0xD0]  }
0x201: {  	v3 =	vld [tilespmem:s29+$0xFFFFFFD0]  }
0x202: {  	[tilespmem:s28+$0xFFFFFF00] =	vst v7;
	v6 =	vld [tilespmem:s29+$0x50]  }
0x203: {  	[tilespmem:s25+$0xFFFFFF40] =	vst v1;
	v1 =	vld [tilespmem:s26+$0xFFFFFF10]  }
0x204: {  	v7 =	vld [tilespmem:s29+$0xFFFFFF50];
	_ =	sdelay $0x1  }
0x205: {  	v5 =	vld.idx.msk [tilespmem:v5+s3+$0x0], $0xffff  }
0x206: {  	v2 =	vld.idx.msk [tilespmem:v2+s3+$0x0], $0xffff  }
0x207: {  	v0 =	vld.idx.msk [tilespmem:v0+s3+$0x0], $0xffff  }
0x208: {  	v3 =	vld.idx.msk [tilespmem:v3+s3+$0x0], $0xffff  }
0x209: {  	v6 =	vld.idx.msk [tilespmem:v6+s3+$0x0], $0xffff  }
0x20a: {  	v1 =	vld.idx.msk [tilespmem:v1+s3+$0x0], $0xffff  }
0x20b: {  	v4 =	vld.idx.msk [tilespmem:v7+s3+$0x0], $0xffff  }
0x20c: {  	[tilespmem:s28+$0x10] =	vst v2;
	v7 =	vld [tilespmem:s26+$0xFFFFFFA0]  }
0x20d: {  	[tilespmem:s25+$0xD0] =	vst v0;
	v2 =	vld [tilespmem:s26+$0x20]  }
0x20e: {  	[tilespmem:s25+$0xFFFFFFD0] =	vst v3;
	v0 =	vld [tilespmem:s29+$0xE0]  }
0x20f: {  	v3 =	vld [tilespmem:s29+$0xFFFFFFE0];
	[tilespmem:s28+$0xFFFFFF10] =	vst v1  }
0x210: {  	v1 =	vld [tilespmem:s26+$0xFFFFFF20];
	[tilespmem:s25+$0xFFFFFF50] =	vst v4  }
0x211: {  	[tilespmem:s28+$0xA0] =	vst v5;
	v4 =	vld [tilespmem:s29+$0xFFFFFF60]  }
0x212: {  	v5 =	vld [tilespmem:s26+$0xB0];
	[tilespmem:s25+$0x50] =	vst v6  }
0x213: {  	v6 =	vld [tilespmem:s29+$0x60]  }
0x214: {  	v7 =	vld.idx.msk [tilespmem:v7+s3+$0x0], $0xffff  }
0x215: {  	v2 =	vld.idx.msk [tilespmem:v2+s3+$0x0], $0xffff  }
0x216: {  	v0 =	vld.idx.msk [tilespmem:v0+s3+$0x0], $0xffff  }
0x217: {  	v3 =	vld.idx.msk [tilespmem:v3+s3+$0x0], $0xffff  }
0x218: {  	v1 =	vld.idx.msk [tilespmem:v1+s3+$0x0], $0xffff  }
0x219: {  	[tilespmem:s28+$0xFFFFFFA0] =	vst v7;
	v4 =	vld.idx.msk [tilespmem:v4+s3+$0x0], $0xffff  }
0x21a: {  	[tilespmem:s28+$0x20] =	vst v2;
	v7 =	vld [tilespmem:s26+$0xFFFFFFB0]  }
0x21b: {  	[tilespmem:s25+$0xE0] =	vst v0;
	v2 =	vld [tilespmem:s26+$0x30]  }
0x21c: {  	v0 =	vld [tilespmem:s29+$0xF0]  }
0x21d: {  	v6 =	vld.idx.msk [tilespmem:v6+s3+$0x0], $0xffff;
	[tilespmem:s28+$0xFFFFFF20] =	vst v1  }
0x21e: {  	[tilespmem:s25+$0xFFFFFFE0] =	vst v3;
	v1 =	vld [tilespmem:s26+$0xFFFFFF30]  }
0x21f: {  	v3 =	vld.idx.msk [tilespmem:v5+s3+$0x0], $0xffff;
	[tilespmem:s25+$0xFFFFFF60] =	vst v4  }
0x220: {  	v4 =	vld [tilespmem:s29+$0xFFFFFF70]  }
0x221: {  	v9 =	vld [tilespmem:s29+$0xFFFFFFF0]  }
0x222: {  	v5 =	vld.idx.msk [tilespmem:v7+s3+$0x0], $0xffff  }
0x223: {  	v2 =	vld.idx.msk [tilespmem:v2+s3+$0x0], $0xffff  }
0x224: {  	[tilespmem:s25+$0x60] =	vst v6;
	v8 =	vld.idx.msk [tilespmem:v0+s3+$0x0], $0xffff  }
0x225: {  	v0 =	vld [tilespmem:s29+$0x70]  }
0x226: {  	[tilespmem:s28+$0xB0] =	vst v3;
	v6 =	vld.idx.msk [tilespmem:v1+s3+$0x0], $0xffff  }
0x227: {  	[tilespmem:s28+$0xFFFFFFB0] =	vst v5;
	v5 =	vld [tilespmem:s26+$0xC0]  }
0x228: {  	v1 =	vld.idx.msk [tilespmem:v4+s3+$0x0], $0xffff  }
0x229: {  	[tilespmem:s28+$0x30] =	vst v2;
	v2 =	vld.idx.msk [tilespmem:v9+s3+$0x0], $0xffff  }
0x22a: {  	v3 =	vld [tilespmem:s26+$0xFFFFFFC0]  }
0x22b: {  	s30 =	simm.s32 $0x4;
	s31 =	simm.s32 $0x580;
	s29 =	simm.s32 $0xCB80;
	v4 =	vld [tilespmem:s26+$0x40];
	[tilespmem:s25+$0xF0] =	vst v8  }
.LBB2_6:
0x22c: {  	v7 =	vld [tilespmem:s31+$0x80];
	s30 =	sadd.s32 $0x4, s30;
	[tilespmem:s28+$0xFFFFFF30] =	vst v6  }
0x22d: {  	v6 =	vld [tilespmem:s31+$0xFFFFFF80];
	p0 =	slt.u32 s30, $0xC4;
	[tilespmem:s25+$0xFFFFFF70] =	vst v1  }
0x22e: {  	v1 =	vld [tilespmem:s31+$0x0]  }
0x22f: {  	v8 =	vld [tilespmem:s31+$0xFFFFFF00]  }
0x230: {  	v5 =	vld.idx.msk [tilespmem:v5+s3+$0x0], $0xffff  }
0x231: {  	v9 =	vld [tilespmem:s26+$0xFFFFFF40];
	[tilespmem:s25+$0xFFFFFFF0] =	vst v2  }
0x232: {  	v2 =	vld.idx.msk [tilespmem:v3+s3+$0x0], $0xffff  }
0x233: {  	v3 =	vld.idx.msk [tilespmem:v4+s3+$0x0], $0xffff  }
0x234: {  	v4 =	vld.idx.msk [tilespmem:v7+s3+$0x0], $0xffff  }
0x235: {  	v6 =	vld.idx.msk [tilespmem:v6+s3+$0x0], $0xffff  }
0x236: {  	v1 =	vld.idx.msk [tilespmem:v1+s3+$0x0], $0xffff;
	[tilespmem:s28+$0xC0] =	vst v5  }
0x237: {  	v5 =	vld [tilespmem:s26+$0xD0]  }
0x238: {  	v7 =	vld.idx.msk [tilespmem:v8+s3+$0x0], $0xffff;
	[tilespmem:s28+$0xFFFFFFC0] =	vst v2  }
0x239: {  	s28 =	sadd.s32 $0x200, s28;
	v2 =	vld.idx.msk [tilespmem:v9+s3+$0x0], $0xffff;
	[tilespmem:s29+$0x40] =	vst v3  }
0x23a: {  	[tilespmem:s28+$0x80] =	vst v4;
	v3 =	vld [tilespmem:s26+$0xFFFFFFD0]  }
0x23b: {  	[tilespmem:s28+$0xFFFFFF80] =	vst v6;
	v4 =	vld [tilespmem:s31+$0x90]  }
0x23c: {  	v6 =	vld [tilespmem:s31+$0xFFFFFF90];
	[tilespmem:s28+$0x0] =	vst v1  }
0x23d: {  	v1 =	vld [tilespmem:s31+$0x10]  }
0x23e: {  	[tilespmem:s28+$0xFFFFFF00] =	vst v7;
	v7 =	vld [tilespmem:s26+$0x50]  }
0x23f: {  	[tilespmem:s29+$0xFFFFFF40] =	vst v2;
	v2 =	vld.idx.msk [tilespmem:v5+s3+$0x0], $0xffff  }
0x240: {  	v5 =	vld [tilespmem:s31+$0xFFFFFF10]  }
0x241: {  	v8 =	vld [tilespmem:s26+$0xFFFFFF50]  }
0x242: {  	v3 =	vld.idx.msk [tilespmem:v3+s3+$0x0], $0xffff  }
0x243: {  	v4 =	vld.idx.msk [tilespmem:v4+s3+$0x0], $0xffff  }
0x244: {  	v6 =	vld.idx.msk [tilespmem:v6+s3+$0x0], $0xffff  }
0x245: {  	v1 =	vld.idx.msk [tilespmem:v1+s3+$0x0], $0xffff;
	[tilespmem:s29+$0xD0] =	vst v2  }
0x246: {  	v2 =	vld [tilespmem:s26+$0xE0]  }
0x247: {  	v7 =	vld.idx.msk [tilespmem:v7+s3+$0x0], $0xffff  }
0x248: {  	v5 =	vld.idx.msk [tilespmem:v5+s3+$0x0], $0xffff;
	[tilespmem:s29+$0xFFFFFFD0] =	vst v3  }
0x249: {  	[tilespmem:s28+$0x90] =	vst v4;
	v3 =	vld.idx.msk [tilespmem:v8+s3+$0x0], $0xffff  }
0x24a: {  	[tilespmem:s28+$0xFFFFFF90] =	vst v6;
	v4 =	vld [tilespmem:s31+$0xA0]  }
0x24b: {  	v6 =	vld [tilespmem:s31+$0xFFFFFFA0];
	[tilespmem:s28+$0x10] =	vst v1  }
0x24c: {  	v1 =	vld [tilespmem:s31+$0x20]  }
0x24d: {  	v8 =	vld [tilespmem:s26+$0xFFFFFFE0];
	[tilespmem:s29+$0x50] =	vst v7  }
0x24e: {  	[tilespmem:s28+$0xFFFFFF10] =	vst v5;
	v2 =	vld.idx.msk [tilespmem:v2+s3+$0x0], $0xffff  }
0x24f: {  	v5 =	vld [tilespmem:s31+$0xFFFFFF20];
	[tilespmem:s29+$0xFFFFFF50] =	vst v3  }
0x250: {  	v3 =	vld [tilespmem:s26+$0xFFFFFF60]  }
0x251: {  	v7 =	vld [tilespmem:s26+$0x60]  }
0x252: {  	v4 =	vld.idx.msk [tilespmem:v4+s3+$0x0], $0xffff  }
0x253: {  	v6 =	vld.idx.msk [tilespmem:v6+s3+$0x0], $0xffff  }
0x254: {  	v1 =	vld.idx.msk [tilespmem:v1+s3+$0x0], $0xffff;
	[tilespmem:s29+$0xE0] =	vst v2  }
0x255: {  	v2 =	vld [tilespmem:s26+$0xF0]  }
0x256: {  	v8 =	vld.idx.msk [tilespmem:v8+s3+$0x0], $0xffff  }
0x257: {  	v5 =	vld.idx.msk [tilespmem:v5+s3+$0x0], $0xffff  }
0x258: {  	[tilespmem:s28+$0xA0] =	vst v4;
	v3 =	vld.idx.msk [tilespmem:v3+s3+$0x0], $0xffff  }
0x259: {  	[tilespmem:s28+$0xFFFFFFA0] =	vst v6;
	v4 =	vld [tilespmem:s31+$0xB0]  }
0x25a: {  	v6 =	vld [tilespmem:s31+$0xFFFFFFB0];
	[tilespmem:s28+$0x20] =	vst v1  }
0x25b: {  	v1 =	vld [tilespmem:s31+$0x30]  }
0x25c: {  	[tilespmem:s29+$0xFFFFFFE0] =	vst v8;
	v7 =	vld.idx.msk [tilespmem:v7+s3+$0x0], $0xffff  }
0x25d: {  	[tilespmem:s28+$0xFFFFFF20] =	vst v5;
	v2 =	vld.idx.msk [tilespmem:v2+s3+$0x0], $0xffff  }
0x25e: {  	v5 =	vld [tilespmem:s31+$0xFFFFFF30];
	[tilespmem:s29+$0xFFFFFF60] =	vst v3  }
0x25f: {  	v3 =	vld [tilespmem:s26+$0xFFFFFF70]  }
0x260: {  	v8 =	vld [tilespmem:s26+$0xFFFFFFF0]  }
0x261: {  	v4 =	vld.idx.msk [tilespmem:v4+s3+$0x0], $0xffff  }
0x262: {  	v9 =	vld.idx.msk [tilespmem:v6+s3+$0x0], $0xffff;
	[tilespmem:s29+$0x60] =	vst v7  }
0x263: {  	v7 =	vld.idx.msk [tilespmem:v1+s3+$0x0], $0xffff;
	[tilespmem:s29+$0xF0] =	vst v2  }
0x264: {  	v2 =	vld [tilespmem:s26+$0x70];
	s26 =	smov.u32 s31  }
0x265: {  	v10 =	vld.idx.msk [tilespmem:v0+s3+$0x0], $0xffff  }
0x266: {  	v6 =	vld.idx.msk [tilespmem:v5+s3+$0x0], $0xffff  }
.Ltmp2:
0x267: {  	[tilespmem:s28+$0xB0] =	vst v4;
	v1 =	vld.idx.msk [tilespmem:v3+s3+$0x0], $0xffff;
	(pc) =	sbr.rel @p0 .LBB2_6-.Ltmp2, $4  }
0x268: {  	[tilespmem:s28+$0xFFFFFFB0] =	vst v9;
	v5 =	vld [tilespmem:s31+$0xC0]  }
0x269: {  	v3 =	vld [tilespmem:s31+$0xFFFFFFC0];
	[tilespmem:s28+$0x30] =	vst v7;
	v0 =	vmov v2  }
0x26a: {  	v4 =	vld [tilespmem:s31+$0x40]  }
0x26b: {  	s31 =	sadd.s32 $0x200, s31;
	v2 =	vld.idx.msk [tilespmem:v8+s3+$0x0], $0xffff;
	[tilespmem:s25+$0x70] =	vst v10;
	s25 =	smov.u32 s29;
	s29 =	smov.u32 s28  }
0x26c: {  	[tilespmem:s28+$0xFFFFFF30] =	vst v6  }
0x26d: {  	v6 =	vld [tilespmem:s26+$0xFFFFFF40];
	_ =	sdelay $0x4  }
0x26e: {  	v5 =	vld.idx.msk [tilespmem:v5+s3+$0x0], $0xffff  }
0x26f: {  	v3 =	vld.idx.msk [tilespmem:v3+s3+$0x0], $0xffff  }
0x270: {  	v4 =	vld.idx.msk [tilespmem:v4+s3+$0x0], $0xffff  }
0x271: {  	v6 =	vld.idx.msk [tilespmem:v6+s3+$0x0], $0xffff;
	_ =	sdelay $0x1  }
0x272: {  	[tilespmem:s28+$0xC0] =	vst v5  }
0x273: {  	v5 =	vld [tilespmem:s26+$0xD0];
	[tilespmem:s28+$0xFFFFFFC0] =	vst v3  }
0x274: {  	[tilespmem:s29+$0x40] =	vst v4;
	v4 =	vld [tilespmem:s26+$0xFFFFFFD0]  }
0x275: {  	[tilespmem:s29+$0xFFFFFF40] =	vst v6;
	v6 =	vld [tilespmem:s26+$0x50]  }
0x276: {  	v3 =	vld [tilespmem:s26+$0xFFFFFF50];
	_ =	sdelay $0x4  }
0x277: {  	v5 =	vld.idx.msk [tilespmem:v5+s3+$0x0], $0xffff  }
0x278: {  	v4 =	vld.idx.msk [tilespmem:v4+s3+$0x0], $0xffff  }
0x279: {  	v6 =	vld.idx.msk [tilespmem:v6+s3+$0x0], $0xffff  }
0x27a: {  	v3 =	vld.idx.msk [tilespmem:v3+s3+$0x0], $0xffff;
	_ =	sdelay $0x1  }
0x27b: {  	[tilespmem:s29+$0xD0] =	vst v5  }
0x27c: {  	v5 =	vld [tilespmem:s26+$0xE0];
	[tilespmem:s29+$0xFFFFFFD0] =	vst v4  }
0x27d: {  	v4 =	vld [tilespmem:s26+$0xFFFFFFE0];
	[tilespmem:s29+$0x50] =	vst v6  }
0x27e: {  	[tilespmem:s29+$0xFFFFFF50] =	vst v3;
	v6 =	vld [tilespmem:s26+$0x60]  }
0x27f: {  	v3 =	vld [tilespmem:s26+$0xFFFFFF60];
	_ =	sdelay $0x4  }
0x280: {  	v5 =	vld.idx.msk [tilespmem:v5+s3+$0x0], $0xffff  }
0x281: {  	v4 =	vld.idx.msk [tilespmem:v4+s3+$0x0], $0xffff  }
0x282: {  	v6 =	vld.idx.msk [tilespmem:v6+s3+$0x0], $0xffff  }
0x283: {  	v3 =	vld.idx.msk [tilespmem:v3+s3+$0x0], $0xffff;
	_ =	sdelay $0x1  }
0x284: {  	[tilespmem:s29+$0xE0] =	vst v5  }
0x285: {  	v5 =	vld [tilespmem:s26+$0xF0];
	[tilespmem:s29+$0xFFFFFFE0] =	vst v4  }
0x286: {  	v4 =	vld [tilespmem:s26+$0xFFFFFFF0];
	[tilespmem:s29+$0x60] =	vst v6  }
0x287: {  	[tilespmem:s29+$0xFFFFFF60] =	vst v3;
	v6 =	vld [tilespmem:s26+$0x70]  }
0x288: {  	v3 =	vld [tilespmem:s26+$0xFFFFFF70];
	_ =	sdelay $0x3  }
0x289: {  	v0 =	vld.idx.msk [tilespmem:v0+s3+$0x0], $0xffff  }
0x28a: {  	v5 =	vld.idx.msk [tilespmem:v5+s3+$0x0], $0xffff  }
0x28b: {  	[tilespmem:s25+$0xFFFFFF70] =	vst v1;
	v1 =	vld.idx.msk [tilespmem:v4+s3+$0x0], $0xffff  }
0x28c: {  	[tilespmem:s25+$0xFFFFFFF0] =	vst v2;
	v2 =	vld.idx.msk [tilespmem:v6+s3+$0x0], $0xffff  }
0x28d: {  	v3 =	vld.idx.msk [tilespmem:v3+s3+$0x0], $0xffff  }
0x28e: {  	[tilespmem:s25+$0x70] =	vst v0  }
0x28f: {  	[tilespmem:s29+$0xF0] =	vst v5  }
0x290: {  	[tilespmem:s29+$0xFFFFFFF0] =	vst v1  }
0x291: {  	[tilespmem:s29+$0x70] =	vst v2  }
0x292: {  	[tilespmem:s29+$0xFFFFFF70] =	vst v3  }
0x293: {  	[hbm4b:s10+s13] =	stream.strided.scatter [tilespmem:s19], [sflag:$0x3], $0x6400, s14, s13, $0x38;
	[tilespmem:$0x19080] =	vst v63  }
0x294: {  	_ =	swait.ge [sflag:s20], $0x6400  }
0x295: {  	[sflag:s20] =	ssyncset.done $0x0  }
0x296: {  	[sflag:s20] =	ssyncadd.s32 $0xFFFF9C00  }
0x297: {  	_ =	swait.ge [sflag:s23], $0x6400  }
0x298: {  	[sflag:s23] =	ssyncset.done $0x0  }
0x299: {  	s29 =	simm.s32 $0x6580;
	[sflag:s23] =	ssyncadd.s32 $0xFFFF9C00  }
0x29a: {  	v0 =	vld [tilespmem:s29+$0x80]  }
0x29b: {  	v1 =	vld [tilespmem:s29+$0xFFFFFF80]  }
0x29c: {  	v2 =	vld [tilespmem:s29+$0x0];
	_ =	sdelay $0x2  }
0x29d: {  	v3 =	vld [tilespmem:s29+$0xFFFFFF00];
	_ =	sdelay $0x2  }
0x29e: {  	v0 =	vld.idx.msk [tilespmem:v0+s3+$0x0], $0xffff  }
0x29f: {  	v1 =	vld.idx.msk [tilespmem:v1+s3+$0x0], $0xffff  }
0x2a0: {  	v2 =	vld.idx.msk [tilespmem:v2+s3+$0x0], $0xffff;
	_ =	sdelay $0x1  }
0x2a1: {  	s25 =	simm.s32 $0x12D80  }
0x2a2: {  	v3 =	vld.idx.msk [tilespmem:v3+s3+$0x0], $0xffff;
	[tilespmem:s25+$0x80] =	vst v0  }
0x2a3: {  	[tilespmem:s25+$0xFFFFFF80] =	vst v1;
	v0 =	vld [tilespmem:s29+$0x90]  }
0x2a4: {  	[tilespmem:s25+$0x0] =	vst v2;
	v1 =	vld [tilespmem:s29+$0xFFFFFF90]  }
0x2a5: {  	v2 =	vld [tilespmem:s29+$0x10];
	_ =	sdelay $0x1  }
0x2a6: {  	[tilespmem:s25+$0xFFFFFF00] =	vst v3  }
0x2a7: {  	v3 =	vld [tilespmem:s29+$0xFFFFFF10];
	_ =	sdelay $0x2  }
0x2a8: {  	v0 =	vld.idx.msk [tilespmem:v0+s3+$0x0], $0xffff  }
0x2a9: {  	v1 =	vld.idx.msk [tilespmem:v1+s3+$0x0], $0xffff  }
0x2aa: {  	v2 =	vld.idx.msk [tilespmem:v2+s3+$0x0], $0xffff;
	_ =	sdelay $0x2  }
0x2ab: {  	v3 =	vld.idx.msk [tilespmem:v3+s3+$0x0], $0xffff;
	[tilespmem:s25+$0x90] =	vst v0  }
0x2ac: {  	[tilespmem:s25+$0xFFFFFF90] =	vst v1;
	v0 =	vld [tilespmem:s29+$0xA0]  }
0x2ad: {  	[tilespmem:s25+$0x10] =	vst v2;
	v1 =	vld [tilespmem:s29+$0xFFFFFFA0]  }
0x2ae: {  	v2 =	vld [tilespmem:s29+$0x20];
	_ =	sdelay $0x1  }
0x2af: {  	[tilespmem:s25+$0xFFFFFF10] =	vst v3  }
0x2b0: {  	v3 =	vld [tilespmem:s29+$0xFFFFFF20]  }
0x2b1: {  	s26 =	simm.s32 $0x6780  }
0x2b2: {  	v4 =	vld [tilespmem:s26+$0x80]  }
0x2b3: {  	v0 =	vld.idx.msk [tilespmem:v0+s3+$0x0], $0xffff  }
0x2b4: {  	v1 =	vld.idx.msk [tilespmem:v1+s3+$0x0], $0xffff  }
0x2b5: {  	v2 =	vld.idx.msk [tilespmem:v2+s3+$0x0], $0xffff;
	_ =	sdelay $0x1  }
0x2b6: {  	v5 =	vld [tilespmem:s26+$0xFFFFFF80]  }
0x2b7: {  	v3 =	vld.idx.msk [tilespmem:v3+s3+$0x0], $0xffff;
	[tilespmem:s25+$0xA0] =	vst v0  }
0x2b8: {  	[tilespmem:s25+$0xFFFFFFA0] =	vst v1;
	v0 =	vld [tilespmem:s29+$0xB0]  }
0x2b9: {  	[tilespmem:s25+$0x20] =	vst v2;
	v1 =	vld [tilespmem:s29+$0xFFFFFFB0]  }
0x2ba: {  	v2 =	vld [tilespmem:s29+$0x30];
	_ =	sdelay $0x1  }
0x2bb: {  	v4 =	vld.idx.msk [tilespmem:v4+s3+$0x0], $0xffff;
	[tilespmem:s25+$0xFFFFFF20] =	vst v3  }
0x2bc: {  	v3 =	vld [tilespmem:s29+$0xFFFFFF30]  }
0x2bd: {  	v5 =	vld.idx.msk [tilespmem:v5+s3+$0x0], $0xffff  }
0x2be: {  	v6 =	vld [tilespmem:s26+$0x0]  }
0x2bf: {  	v0 =	vld.idx.msk [tilespmem:v0+s3+$0x0], $0xffff  }
0x2c0: {  	s28 =	simm.s32 $0x12F80;
	v1 =	vld.idx.msk [tilespmem:v1+s3+$0x0], $0xffff  }
0x2c1: {  	[tilespmem:s28+$0x80] =	vst v4;
	v2 =	vld.idx.msk [tilespmem:v2+s3+$0x0], $0xffff  }
0x2c2: {  	[tilespmem:s28+$0xFFFFFF80] =	vst v5;
	v4 =	vld [tilespmem:s26+$0x90]  }
0x2c3: {  	v5 =	vld [tilespmem:s26+$0xFFFFFF90]  }
0x2c4: {  	v3 =	vld.idx.msk [tilespmem:v3+s3+$0x0], $0xffff;
	[tilespmem:s25+$0xB0] =	vst v0  }
0x2c5: {  	[tilespmem:s25+$0xFFFFFFB0] =	vst v1;
	v0 =	vld [tilespmem:s29+$0xC0]  }
0x2c6: {  	[tilespmem:s25+$0x30] =	vst v2;
	v1 =	vld [tilespmem:s29+$0xFFFFFFC0]  }
0x2c7: {  	v2 =	vld [tilespmem:s29+$0x40]  }
0x2c8: {  	v7 =	vld [tilespmem:s26+$0xFFFFFF00]  }
0x2c9: {  	v6 =	vld.idx.msk [tilespmem:v6+s3+$0x0], $0xffff  }
0x2ca: {  	v4 =	vld.idx.msk [tilespmem:v4+s3+$0x0], $0xffff;
	[tilespmem:s25+$0xFFFFFF30] =	vst v3  }
0x2cb: {  	v3 =	vld [tilespmem:s29+$0xFFFFFF40]  }
0x2cc: {  	v5 =	vld.idx.msk [tilespmem:v5+s3+$0x0], $0xffff  }
0x2cd: {  	v0 =	vld.idx.msk [tilespmem:v0+s3+$0x0], $0xffff  }
0x2ce: {  	v1 =	vld.idx.msk [tilespmem:v1+s3+$0x0], $0xffff  }
0x2cf: {  	[tilespmem:s28+$0x0] =	vst v6;
	v2 =	vld.idx.msk [tilespmem:v2+s3+$0x0], $0xffff  }
0x2d0: {  	[tilespmem:s28+$0x90] =	vst v4  }
0x2d1: {  	v7 =	vld.idx.msk [tilespmem:v7+s3+$0x0], $0xffff;
	[tilespmem:s28+$0xFFFFFF90] =	vst v5  }
0x2d2: {  	v5 =	vld [tilespmem:s26+$0xA0];
	[tilespmem:s25+$0xC0] =	vst v0  }
0x2d3: {  	[tilespmem:s25+$0xFFFFFFC0] =	vst v1;
	v1 =	vld.idx.msk [tilespmem:v3+s3+$0x0], $0xffff  }
0x2d4: {  	[tilespmem:s25+$0x40] =	vst v2;
	v2 =	vld [tilespmem:s26+$0x10]  }
0x2d5: {  	v0 =	vld [tilespmem:s29+$0xD0]  }
0x2d6: {  	v3 =	vld [tilespmem:s29+$0xFFFFFFD0]  }
0x2d7: {  	[tilespmem:s28+$0xFFFFFF00] =	vst v7;
	v6 =	vld [tilespmem:s29+$0x50]  }
0x2d8: {  	[tilespmem:s25+$0xFFFFFF40] =	vst v1;
	v1 =	vld [tilespmem:s26+$0xFFFFFF10]  }
0x2d9: {  	v7 =	vld [tilespmem:s29+$0xFFFFFF50];
	_ =	sdelay $0x1  }
0x2da: {  	v5 =	vld.idx.msk [tilespmem:v5+s3+$0x0], $0xffff  }
0x2db: {  	v2 =	vld.idx.msk [tilespmem:v2+s3+$0x0], $0xffff  }
0x2dc: {  	v0 =	vld.idx.msk [tilespmem:v0+s3+$0x0], $0xffff  }
0x2dd: {  	v3 =	vld.idx.msk [tilespmem:v3+s3+$0x0], $0xffff  }
0x2de: {  	v6 =	vld.idx.msk [tilespmem:v6+s3+$0x0], $0xffff  }
0x2df: {  	v1 =	vld.idx.msk [tilespmem:v1+s3+$0x0], $0xffff  }
0x2e0: {  	v4 =	vld.idx.msk [tilespmem:v7+s3+$0x0], $0xffff  }
0x2e1: {  	[tilespmem:s28+$0x10] =	vst v2;
	v7 =	vld [tilespmem:s26+$0xFFFFFFA0]  }
0x2e2: {  	[tilespmem:s25+$0xD0] =	vst v0;
	v2 =	vld [tilespmem:s26+$0x20]  }
0x2e3: {  	[tilespmem:s25+$0xFFFFFFD0] =	vst v3;
	v0 =	vld [tilespmem:s29+$0xE0]  }
0x2e4: {  	v3 =	vld [tilespmem:s29+$0xFFFFFFE0];
	[tilespmem:s28+$0xFFFFFF10] =	vst v1  }
0x2e5: {  	v1 =	vld [tilespmem:s26+$0xFFFFFF20];
	[tilespmem:s25+$0xFFFFFF50] =	vst v4  }
0x2e6: {  	[tilespmem:s28+$0xA0] =	vst v5;
	v4 =	vld [tilespmem:s29+$0xFFFFFF60]  }
0x2e7: {  	v5 =	vld [tilespmem:s26+$0xB0];
	[tilespmem:s25+$0x50] =	vst v6  }
0x2e8: {  	v6 =	vld [tilespmem:s29+$0x60]  }
0x2e9: {  	v7 =	vld.idx.msk [tilespmem:v7+s3+$0x0], $0xffff  }
0x2ea: {  	v2 =	vld.idx.msk [tilespmem:v2+s3+$0x0], $0xffff  }
0x2eb: {  	v0 =	vld.idx.msk [tilespmem:v0+s3+$0x0], $0xffff  }
0x2ec: {  	v3 =	vld.idx.msk [tilespmem:v3+s3+$0x0], $0xffff  }
0x2ed: {  	v1 =	vld.idx.msk [tilespmem:v1+s3+$0x0], $0xffff  }
0x2ee: {  	[tilespmem:s28+$0xFFFFFFA0] =	vst v7;
	v4 =	vld.idx.msk [tilespmem:v4+s3+$0x0], $0xffff  }
0x2ef: {  	[tilespmem:s28+$0x20] =	vst v2;
	v7 =	vld [tilespmem:s26+$0xFFFFFFB0]  }
0x2f0: {  	[tilespmem:s25+$0xE0] =	vst v0;
	v2 =	vld [tilespmem:s26+$0x30]  }
0x2f1: {  	v0 =	vld [tilespmem:s29+$0xF0]  }
0x2f2: {  	v6 =	vld.idx.msk [tilespmem:v6+s3+$0x0], $0xffff;
	[tilespmem:s28+$0xFFFFFF20] =	vst v1  }
0x2f3: {  	[tilespmem:s25+$0xFFFFFFE0] =	vst v3;
	v1 =	vld [tilespmem:s26+$0xFFFFFF30]  }
0x2f4: {  	v3 =	vld.idx.msk [tilespmem:v5+s3+$0x0], $0xffff;
	[tilespmem:s25+$0xFFFFFF60] =	vst v4  }
0x2f5: {  	v4 =	vld [tilespmem:s29+$0xFFFFFF70]  }
0x2f6: {  	v9 =	vld [tilespmem:s29+$0xFFFFFFF0]  }
0x2f7: {  	v5 =	vld.idx.msk [tilespmem:v7+s3+$0x0], $0xffff  }
0x2f8: {  	v2 =	vld.idx.msk [tilespmem:v2+s3+$0x0], $0xffff  }
0x2f9: {  	[tilespmem:s25+$0x60] =	vst v6;
	v8 =	vld.idx.msk [tilespmem:v0+s3+$0x0], $0xffff  }
0x2fa: {  	v0 =	vld [tilespmem:s29+$0x70]  }
0x2fb: {  	[tilespmem:s28+$0xB0] =	vst v3;
	v6 =	vld.idx.msk [tilespmem:v1+s3+$0x0], $0xffff  }
0x2fc: {  	[tilespmem:s28+$0xFFFFFFB0] =	vst v5;
	v5 =	vld [tilespmem:s26+$0xC0]  }
0x2fd: {  	v1 =	vld.idx.msk [tilespmem:v4+s3+$0x0], $0xffff  }
0x2fe: {  	[tilespmem:s28+$0x30] =	vst v2;
	v2 =	vld.idx.msk [tilespmem:v9+s3+$0x0], $0xffff  }
0x2ff: {  	v3 =	vld [tilespmem:s26+$0xFFFFFFC0]  }
0x300: {  	s30 =	simm.s32 $0x4;
	s31 =	simm.s32 $0x6980;
	s29 =	simm.s32 $0x12F80;
	v4 =	vld [tilespmem:s26+$0x40];
	[tilespmem:s25+$0xF0] =	vst v8  }
.LBB2_8:
0x301: {  	v7 =	vld [tilespmem:s31+$0x80];
	s30 =	sadd.s32 $0x4, s30;
	[tilespmem:s28+$0xFFFFFF30] =	vst v6  }
0x302: {  	v6 =	vld [tilespmem:s31+$0xFFFFFF80];
	p0 =	slt.u32 s30, $0xC4;
	[tilespmem:s25+$0xFFFFFF70] =	vst v1  }
0x303: {  	v1 =	vld [tilespmem:s31+$0x0]  }
0x304: {  	v8 =	vld [tilespmem:s31+$0xFFFFFF00]  }
0x305: {  	v5 =	vld.idx.msk [tilespmem:v5+s3+$0x0], $0xffff  }
0x306: {  	v9 =	vld [tilespmem:s26+$0xFFFFFF40];
	[tilespmem:s25+$0xFFFFFFF0] =	vst v2  }
0x307: {  	v2 =	vld.idx.msk [tilespmem:v3+s3+$0x0], $0xffff  }
0x308: {  	v3 =	vld.idx.msk [tilespmem:v4+s3+$0x0], $0xffff  }
0x309: {  	v4 =	vld.idx.msk [tilespmem:v7+s3+$0x0], $0xffff  }
0x30a: {  	v6 =	vld.idx.msk [tilespmem:v6+s3+$0x0], $0xffff  }
0x30b: {  	v1 =	vld.idx.msk [tilespmem:v1+s3+$0x0], $0xffff;
	[tilespmem:s28+$0xC0] =	vst v5  }
0x30c: {  	v5 =	vld [tilespmem:s26+$0xD0]  }
0x30d: {  	v7 =	vld.idx.msk [tilespmem:v8+s3+$0x0], $0xffff;
	[tilespmem:s28+$0xFFFFFFC0] =	vst v2  }
0x30e: {  	s28 =	sadd.s32 $0x200, s28;
	v2 =	vld.idx.msk [tilespmem:v9+s3+$0x0], $0xffff;
	[tilespmem:s29+$0x40] =	vst v3  }
0x30f: {  	[tilespmem:s28+$0x80] =	vst v4;
	v3 =	vld [tilespmem:s26+$0xFFFFFFD0]  }
0x310: {  	[tilespmem:s28+$0xFFFFFF80] =	vst v6;
	v4 =	vld [tilespmem:s31+$0x90]  }
0x311: {  	v6 =	vld [tilespmem:s31+$0xFFFFFF90];
	[tilespmem:s28+$0x0] =	vst v1  }
0x312: {  	v1 =	vld [tilespmem:s31+$0x10]  }
0x313: {  	[tilespmem:s28+$0xFFFFFF00] =	vst v7;
	v7 =	vld [tilespmem:s26+$0x50]  }
0x314: {  	[tilespmem:s29+$0xFFFFFF40] =	vst v2;
	v2 =	vld.idx.msk [tilespmem:v5+s3+$0x0], $0xffff  }
0x315: {  	v5 =	vld [tilespmem:s31+$0xFFFFFF10]  }
0x316: {  	v8 =	vld [tilespmem:s26+$0xFFFFFF50]  }
0x317: {  	v3 =	vld.idx.msk [tilespmem:v3+s3+$0x0], $0xffff  }
0x318: {  	v4 =	vld.idx.msk [tilespmem:v4+s3+$0x0], $0xffff  }
0x319: {  	v6 =	vld.idx.msk [tilespmem:v6+s3+$0x0], $0xffff  }
0x31a: {  	v1 =	vld.idx.msk [tilespmem:v1+s3+$0x0], $0xffff;
	[tilespmem:s29+$0xD0] =	vst v2  }
0x31b: {  	v2 =	vld [tilespmem:s26+$0xE0]  }
0x31c: {  	v7 =	vld.idx.msk [tilespmem:v7+s3+$0x0], $0xffff  }
0x31d: {  	v5 =	vld.idx.msk [tilespmem:v5+s3+$0x0], $0xffff;
	[tilespmem:s29+$0xFFFFFFD0] =	vst v3  }
0x31e: {  	[tilespmem:s28+$0x90] =	vst v4;
	v3 =	vld.idx.msk [tilespmem:v8+s3+$0x0], $0xffff  }
0x31f: {  	[tilespmem:s28+$0xFFFFFF90] =	vst v6;
	v4 =	vld [tilespmem:s31+$0xA0]  }
0x320: {  	v6 =	vld [tilespmem:s31+$0xFFFFFFA0];
	[tilespmem:s28+$0x10] =	vst v1  }
0x321: {  	v1 =	vld [tilespmem:s31+$0x20]  }
0x322: {  	v8 =	vld [tilespmem:s26+$0xFFFFFFE0];
	[tilespmem:s29+$0x50] =	vst v7  }
0x323: {  	[tilespmem:s28+$0xFFFFFF10] =	vst v5;
	v2 =	vld.idx.msk [tilespmem:v2+s3+$0x0], $0xffff  }
0x324: {  	v5 =	vld [tilespmem:s31+$0xFFFFFF20];
	[tilespmem:s29+$0xFFFFFF50] =	vst v3  }
0x325: {  	v3 =	vld [tilespmem:s26+$0xFFFFFF60]  }
0x326: {  	v7 =	vld [tilespmem:s26+$0x60]  }
0x327: {  	v4 =	vld.idx.msk [tilespmem:v4+s3+$0x0], $0xffff  }
0x328: {  	v6 =	vld.idx.msk [tilespmem:v6+s3+$0x0], $0xffff  }
0x329: {  	v1 =	vld.idx.msk [tilespmem:v1+s3+$0x0], $0xffff;
	[tilespmem:s29+$0xE0] =	vst v2  }
0x32a: {  	v2 =	vld [tilespmem:s26+$0xF0]  }
0x32b: {  	v8 =	vld.idx.msk [tilespmem:v8+s3+$0x0], $0xffff  }
0x32c: {  	v5 =	vld.idx.msk [tilespmem:v5+s3+$0x0], $0xffff  }
0x32d: {  	[tilespmem:s28+$0xA0] =	vst v4;
	v3 =	vld.idx.msk [tilespmem:v3+s3+$0x0], $0xffff  }
0x32e: {  	[tilespmem:s28+$0xFFFFFFA0] =	vst v6;
	v4 =	vld [tilespmem:s31+$0xB0]  }
0x32f: {  	v6 =	vld [tilespmem:s31+$0xFFFFFFB0];
	[tilespmem:s28+$0x20] =	vst v1  }
0x330: {  	v1 =	vld [tilespmem:s31+$0x30]  }
0x331: {  	[tilespmem:s29+$0xFFFFFFE0] =	vst v8;
	v7 =	vld.idx.msk [tilespmem:v7+s3+$0x0], $0xffff  }
0x332: {  	[tilespmem:s28+$0xFFFFFF20] =	vst v5;
	v2 =	vld.idx.msk [tilespmem:v2+s3+$0x0], $0xffff  }
0x333: {  	v5 =	vld [tilespmem:s31+$0xFFFFFF30];
	[tilespmem:s29+$0xFFFFFF60] =	vst v3  }
0x334: {  	v3 =	vld [tilespmem:s26+$0xFFFFFF70]  }
0x335: {  	v8 =	vld [tilespmem:s26+$0xFFFFFFF0]  }
0x336: {  	v4 =	vld.idx.msk [tilespmem:v4+s3+$0x0], $0xffff  }
0x337: {  	v9 =	vld.idx.msk [tilespmem:v6+s3+$0x0], $0xffff;
	[tilespmem:s29+$0x60] =	vst v7  }
0x338: {  	v7 =	vld.idx.msk [tilespmem:v1+s3+$0x0], $0xffff;
	[tilespmem:s29+$0xF0] =	vst v2  }
0x339: {  	v2 =	vld [tilespmem:s26+$0x70];
	s26 =	smov.u32 s31  }
0x33a: {  	v10 =	vld.idx.msk [tilespmem:v0+s3+$0x0], $0xffff  }
0x33b: {  	v6 =	vld.idx.msk [tilespmem:v5+s3+$0x0], $0xffff  }
.Ltmp3:
0x33c: {  	[tilespmem:s28+$0xB0] =	vst v4;
	v1 =	vld.idx.msk [tilespmem:v3+s3+$0x0], $0xffff;
	(pc) =	sbr.rel @p0 .LBB2_8-.Ltmp3, $4  }
0x33d: {  	[tilespmem:s28+$0xFFFFFFB0] =	vst v9;
	v5 =	vld [tilespmem:s31+$0xC0]  }
0x33e: {  	v3 =	vld [tilespmem:s31+$0xFFFFFFC0];
	[tilespmem:s28+$0x30] =	vst v7;
	v0 =	vmov v2  }
0x33f: {  	v4 =	vld [tilespmem:s31+$0x40]  }
0x340: {  	s31 =	sadd.s32 $0x200, s31;
	v2 =	vld.idx.msk [tilespmem:v8+s3+$0x0], $0xffff;
	[tilespmem:s25+$0x70] =	vst v10;
	s25 =	smov.u32 s29;
	s29 =	smov.u32 s28  }
0x341: {  	[tilespmem:s28+$0xFFFFFF30] =	vst v6  }
0x342: {  	v6 =	vld [tilespmem:s26+$0xFFFFFF40];
	_ =	sdelay $0x4  }
0x343: {  	v5 =	vld.idx.msk [tilespmem:v5+s3+$0x0], $0xffff  }
0x344: {  	v3 =	vld.idx.msk [tilespmem:v3+s3+$0x0], $0xffff  }
0x345: {  	v4 =	vld.idx.msk [tilespmem:v4+s3+$0x0], $0xffff  }
0x346: {  	v6 =	vld.idx.msk [tilespmem:v6+s3+$0x0], $0xffff;
	_ =	sdelay $0x1  }
0x347: {  	[tilespmem:s28+$0xC0] =	vst v5  }
0x348: {  	v5 =	vld [tilespmem:s26+$0xD0];
	[tilespmem:s28+$0xFFFFFFC0] =	vst v3  }
0x349: {  	[tilespmem:s29+$0x40] =	vst v4;
	v60 =	vld [tilespmem:s26+$0xFFFFFFD0]  }
0x34a: {  	v61 =	vld [tilespmem:s26+$0x50];
	[tilespmem:s29+$0xFFFFFF40] =	vst v6  }
0x34b: {  	v59 =	vld [tilespmem:s26+$0xFFFFFF50];
	_ =	sdelay $0x4  }
0x34c: {  	v5 =	vld.idx.msk [tilespmem:v5+s3+$0x0], $0xffff  }
0x34d: {  	v4 =	vld.idx.msk [tilespmem:v60+s3+$0x0], $0xffff  }
0x34e: {  	v6 =	vld.idx.msk [tilespmem:v61+s3+$0x0], $0xffff  }
0x34f: {  	v3 =	vld.idx.msk [tilespmem:v59+s3+$0x0], $0xffff;
	_ =	sdelay $0x1  }
0x350: {  	[tilespmem:s29+$0xD0] =	vst v5  }
0x351: {  	v5 =	vld [tilespmem:s26+$0xE0];
	[tilespmem:s29+$0xFFFFFFD0] =	vst v4  }
0x352: {  	v4 =	vld [tilespmem:s26+$0xFFFFFFE0];
	[tilespmem:s29+$0x50] =	vst v6  }
0x353: {  	v6 =	vld [tilespmem:s26+$0x60];
	[tilespmem:s29+$0xFFFFFF50] =	vst v3  }
0x354: {  	v3 =	vld [tilespmem:s26+$0xFFFFFF60];
	_ =	sdelay $0x4  }
0x355: {  	v5 =	vld.idx.msk [tilespmem:v5+s3+$0x0], $0xffff  }
0x356: {  	v4 =	vld.idx.msk [tilespmem:v4+s3+$0x0], $0xffff  }
0x357: {  	v6 =	vld.idx.msk [tilespmem:v6+s3+$0x0], $0xffff  }
0x358: {  	v3 =	vld.idx.msk [tilespmem:v3+s3+$0x0], $0xffff;
	_ =	sdelay $0x1  }
0x359: {  	[tilespmem:s29+$0xE0] =	vst v5  }
0x35a: {  	v5 =	vld [tilespmem:s26+$0xF0];
	[tilespmem:s29+$0xFFFFFFE0] =	vst v4  }
0x35b: {  	v4 =	vld [tilespmem:s26+$0xFFFFFFF0];
	[tilespmem:s29+$0x60] =	vst v6  }
0x35c: {  	v6 =	vld [tilespmem:s26+$0x70];
	[tilespmem:s29+$0xFFFFFF60] =	vst v3  }
0x35d: {  	v3 =	vld [tilespmem:s26+$0xFFFFFF70];
	_ =	sdelay $0x3  }
0x35e: {  	v0 =	vld.idx.msk [tilespmem:v0+s3+$0x0], $0xffff  }
0x35f: {  	v5 =	vld.idx.msk [tilespmem:v5+s3+$0x0], $0xffff  }
0x360: {  	v62 =	vld.idx.msk [tilespmem:v4+s3+$0x0], $0xffff  }
0x361: {  	[tilespmem:s25+$0xFFFFFF70] =	vst v1;
	v63 =	vld.idx.msk [tilespmem:v6+s3+$0x0], $0xffff  }
0x362: {  	[tilespmem:s25+$0xFFFFFFF0] =	vst v2;
	v3 =	vld.idx.msk [tilespmem:v3+s3+$0x0], $0xffff  }
0x363: {  	[tilespmem:s25+$0x70] =	vst v0  }
0x364: {  	[tilespmem:s29+$0xF0] =	vst v5  }
0x365: {  	[tilespmem:s29+$0xFFFFFFF0] =	vst v62  }
0x366: {  	[tilespmem:s29+$0x70] =	vst v63  }
0x367: {  	s24 =	sadd.s32 $0x1, s24;
	[tilespmem:s29+$0xFFFFFF70] =	vst v3  }
0x368: {  	[hbm4b:s11+s13] =	stream.strided.scatter [tilespmem:s21], [sflag:$0x4], $0x6400, s14, s13, $0x38;
	[tilespmem:$0x19080] =	vst v63  }
0x369: {  	p0 =	sne.s32 s24, s12;
	_ =	swait.ge [sflag:s22], $0x6400  }
.Ltmp4:
0x36a: {  	[sflag:s22] =	ssyncset.done $0x0;
	(pc) =	sbr.rel @p0 .LBB2_1-.Ltmp4, $4  }
0x36b: {  	[sflag:s22] =	ssyncadd.s32 $0xFFFF9C00  }
0x36c: {  	_ =	swait.ge [sflag:s23], $0x6400  }
0x36d: {  	[sflag:s23] =	ssyncset.done $0x0  }
0x36e: {  	[sflag:s23] =	ssyncadd.s32 $0xFFFF9C00  }
0x36f: {  	_ =	sfence.sel $0x180000  }
0x370: {  	[bflag:$0x0] =	sbarrier.arrive $0xFFFF  }
0x371: {  	p0 =	sne.s32 s1, $0x0;
	_ =	strace $0x90000047  }
0x372: {  	s0 =	sadd.s32 @!p0 $0x100000, s0;
	[bflag:$0x2] =	sbarrier.arrive $0xFFFF  }
0x373: {  	[sflag:s0] =	ssyncadd.tile.s32 @!p0 $0x1;
	_ =	shalt  }
.Lfunc_end2:
_tile_overlayer_lowered:
.L_overlay_start_2:
0x374: {  	(tag) =	ssettag $0x2  }
0x375: {  	s0 =	rddreg [dreg:$0x0];
	s2 =	stileid.u32  }
0x376: {  	s1 =	rddreg [dreg:$0x1];
	p0 =	sne.s32 s2, $0x0  }
0x377: {  	s3 =	rddreg [dreg:$0x2];
	[bflag:$0x3] =	sbarrier.arrive $0xFFFF;
	s2 =	simm.s32 @!p0 $0x1C05  }
0x378: {  	[timem:s3], [sflag:s2] =	dma.local @!p0 [hbm:s0], s1  }
0x379: {  	s0 =	simm.s32 @!p0 $0x5  }
0x37a: {  	_ =	swait.ge @!p0 [sflag:s0], s1  }
0x37b: {  	s1 =	ssub.s32 @!p0 $0x0, s1;
	[sflag:s0] =	ssyncset.done @!p0 $0x0  }
0x37c: {  	[sflag:s0] =	ssyncadd.s32 @!p0 s1  }
0x37d: {  	[bflag:$0x3] =	sbarrier.arrive $0xFFFF  }
0x37e: {  	_ =	shalt  }

</sc_bundles>
